<compile_context>
chip_gen: v7x
topology: tpu7x:2x2x1
jax: 0.10.2.dev20260603
libtpu: 0.0.44.dev20260713+nightly
codegen_flags: <defaults>
</compile_context>

<pallas_src>
import numpy as np
import jax
import jax.numpy as jnp
from jax import lax
from jax.experimental import pallas as pl
from jax.experimental.pallas import tpu as pltpu
from jax.experimental.pallas import tpu_sc as plsc

_STRIDES = (8, 16, 32, 64, 128)
_LIMITS = ((-1.0, 64.0), (64.0, 128.0), (128.0, 256.0), (256.0, 512.0),
           (512.0, 999999.0))
_SAMPLE_RADIO_RATIO = 1.5
_HWS = ((64, 64), (32, 32), (16, 16), (8, 8), (4, 4))
_P = sum(h * w for h, w in _HWS)
_PSC = 5504
_CH = 1376
_BIG = 99999999.0
_LV = tuple(
    (sum(h * w for h, w in _HWS[:i]), _HWS[i][1], _HWS[i][0],
     float(_STRIDES[i]), _LIMITS[i][0], _LIMITS[i][1])
    for i in range(5))


def _point_xy() -> np.ndarray:
    xs, ys = [], []
    for (h, w), s in zip(_HWS, _STRIDES):
        gx = np.arange(w, dtype=np.float32) * s + s // 2
        gy = np.arange(h, dtype=np.float32) * s + s // 2
        yy, xx = np.meshgrid(gy, gx, indexing="ij")
        xs.append(xx.reshape(-1))
        ys.append(yy.reshape(-1))
    out = np.zeros((2, _PSC), np.float32)
    out[0, :_P] = np.concatenate(xs)
    out[1, :_P] = np.concatenate(ys)
    return out


_PTS_XY = _point_xy()


def _sc_body(gt_hbm, ptx_hbm, pty_hbm,
             o_cls, o_cen, o_rl, o_rt, o_rr, o_rb,
             ba, bi, gv, mb_a, mb_i, xyv, ocv, sh_a, sh_i):
    c = lax.axis_index("c")
    s = lax.axis_index("s")
    b = c * 4 + s % 4
    g = s // 4
    lane = lax.broadcasted_iota(jnp.int32, (16,), 0)
    zf = jnp.zeros((16,), jnp.float32)
    zi = jnp.zeros((16,), jnp.int32)

    pltpu.sync_copy(gt_hbm.at[pl.ds(b * 512, 512)], gv)

    def init_body(i, carry):
        ba[pl.ds(i * 16, 16)] = zf + _BIG
        bi[pl.ds(i * 16, 16)] = zf
        return carry
    lax.fori_loop(0, _PSC // 16, init_body, 0)

    dx = lane & 3
    dy = lane >> 2

    def box_body(j, carry):
        m = g * 16 + j
        col = zi + m
        x1 = plsc.load_gather(gv, [col])
        y1 = plsc.load_gather(gv, [col + 64])
        x2 = plsc.load_gather(gv, [col + 128])
        y2 = plsc.load_gather(gv, [col + 192])
        cx = (x1 + x2) / 2.0
        cy = (y1 + y2) / 2.0
        mf = zf + m.astype(jnp.float32)
        for off0, w, h, st, lo, hi in _LV:
            bx = (cx * (1.0 / st)).astype(jnp.int32) - 1
            by = (cy * (1.0 / st)).astype(jnp.int32) - 1
            ix = bx + dx
            iy = by + dy
            inb = (ix >= 0) & (ix < w) & (iy >= 0) & (iy < h)
            x = ix.astype(jnp.float32) * st + float(int(st) // 2)
            y = iy.astype(jnp.float32) * st + float(int(st) // 2)
            l_ = x - x1
            t_ = y - y1
            r_ = x2 - x
            b_ = y2 - y
            omin = jnp.minimum(jnp.minimum(l_, t_), jnp.minimum(r_, b_))
            omax = jnp.maximum(jnp.maximum(l_, t_), jnp.maximum(r_, b_))
            area = (l_ + r_) * (t_ + b_)
            gmax = jnp.maximum(jnp.maximum(x - cx, cx - x),
                               jnp.maximum(y - cy, cy - y))
            pos = ((omin > 0.0) & (omax > lo) & (omax <= hi)
                   & (gmax < st * _SAMPLE_RADIO_RATIO) & inb)
            p = off0 + iy * w + ix
            p = jnp.clip(p, 0, _PSC - 1)
            cur = plsc.load_gather(ba, [p])
            better = pos & (area < cur)
            plsc.store_scatter(ba, [p], area, mask=better)
            plsc.store_scatter(bi, [p], mf, mask=better)
        return carry
    lax.fori_loop(0, 16, box_body, 0)

    base = g * _CH
    pltpu.sync_copy(ptx_hbm.at[pl.ds(base, _CH)], xyv.at[pl.ds(0, _CH)])
    pltpu.sync_copy(pty_hbm.at[pl.ds(base, _CH)], xyv.at[pl.ds(_CH, _CH)])
    pltpu.sync_copy(ba, sh_a.at[pl.ds(s * _PSC, _PSC)])
    pltpu.sync_copy(bi, sh_i.at[pl.ds(s * _PSC, _PSC)])
    plsc.subcore_barrier()

    for gg in range(4):
        spub = gg * 4 + s % 4
        pltpu.sync_copy(sh_a.at[pl.ds(spub * _PSC + base, _CH)],
                        mb_a.at[pl.ds(gg * _CH, _CH)])
        pltpu.sync_copy(sh_i.at[pl.ds(spub * _PSC + base, _CH)],
                        mb_i.at[pl.ds(gg * _CH, _CH)])

    def fin_body(i, carry):
        o16 = i * 16
        best_a = mb_a[pl.ds(o16, 16)]
        best_i = mb_i[pl.ds(o16, 16)]
        for gg in range(1, 4):
            ag = mb_a[pl.ds(gg * _CH + o16, 16)]
            take = ag < best_a
            best_a = jnp.where(take, ag, best_a)
            best_i = jnp.where(take, mb_i[pl.ds(gg * _CH + o16, 16)], best_i)
        pos2 = best_a < _BIG
        idxv = best_i.astype(jnp.int32)
        x = xyv[pl.ds(o16, 16)]
        y = xyv[pl.ds(_CH + o16, 16)]
        x1 = plsc.load_gather(gv, [idxv])
        y1 = plsc.load_gather(gv, [idxv + 64])
        x2 = plsc.load_gather(gv, [idxv + 128])
        y2 = plsc.load_gather(gv, [idxv + 192])
        lab = plsc.load_gather(gv, [idxv + 256])
        l_ = x - x1
        t_ = y - y1
        r_ = x2 - x
        b_ = y2 - y
        lr_min = jnp.minimum(l_, r_)
        lr_max = jnp.maximum(l_, r_)
        tb_min = jnp.minimum(t_, b_)
        tb_max = jnp.maximum(t_, b_)
        val = lr_min * tb_min / (lr_max * tb_max + 1e-10)
        v = jnp.maximum(jnp.where(pos2, val, 1.0), 1e-30)
        ry = lax.bitcast_convert_type(
            0x5F3759DF - lax.shift_right_logical(
                lax.bitcast_convert_type(v, jnp.int32), 1), jnp.float32)
        for _ in range(3):
            ry = ry * (1.5 - 0.5 * v * ry * ry)
        sq = v * ry
        sq = 0.5 * (sq + v / sq)
        ocv[pl.ds(o16, 16)] = jnp.where(pos2, lab, 0.0)
        ocv[pl.ds(_CH + o16, 16)] = jnp.where(pos2, sq, -1.0)
        ocv[pl.ds(2 * _CH + o16, 16)] = jnp.where(pos2, l_, -1.0)
        ocv[pl.ds(3 * _CH + o16, 16)] = jnp.where(pos2, t_, -1.0)
        ocv[pl.ds(4 * _CH + o16, 16)] = jnp.where(pos2, r_, -1.0)
        ocv[pl.ds(5 * _CH + o16, 16)] = jnp.where(pos2, b_, -1.0)
        return carry
    lax.fori_loop(0, _CH // 16, fin_body, 0)

    obase = b * _PSC + base
    for r, oref in enumerate((o_cls, o_cen, o_rl, o_rt, o_rr, o_rb)):
        pltpu.sync_copy(ocv.at[pl.ds(r * _CH, _CH)], oref.at[pl.ds(obase, _CH)])


@jax.jit
def _gen_targets_sc(gt_box, labels):
    bsz, m = labels.shape
    gtp = jnp.concatenate(
        [gt_box.astype(jnp.float32).transpose(0, 2, 1),
         labels.astype(jnp.float32)[:, None, :],
         jnp.zeros((bsz, 3, m), jnp.float32)],
        axis=1).reshape(bsz * 8 * m)
    pts = jnp.asarray(_PTS_XY)
    f32 = jnp.float32
    sc_fn = pl.kernel(
        _sc_body,
        mesh=plsc.VectorSubcoreMesh(core_axis_name="c", subcore_axis_name="s"),
        compiler_params=pltpu.CompilerParams(needs_layout_passes=False),
        out_type=[jax.ShapeDtypeStruct((bsz * _PSC,), f32) for _ in range(6)],
        scratch_types=[
            pltpu.VMEM((_PSC,), f32),
            pltpu.VMEM((_PSC,), f32),
            pltpu.VMEM((512,), f32),
            pltpu.VMEM((4 * _CH,), f32),
            pltpu.VMEM((4 * _CH,), f32),
            pltpu.VMEM((2 * _CH,), f32),
            pltpu.VMEM((6 * _CH,), f32),
            pltpu.VMEM_SHARED((16 * _PSC,), f32),
            pltpu.VMEM_SHARED((16 * _PSC,), f32),
        ],
    )
    outs = sc_fn(gtp, pts[0], pts[1])
    o_cls, o_cen, o_rl, o_rt, o_rr, o_rb = (
        o.reshape(bsz, _PSC)[:, :_P] for o in outs)
    cls_t = o_cls[..., None].astype(jnp.int32)
    cen_t = o_cen[..., None]
    reg_t = jnp.stack([o_rl, o_rt, o_rr, o_rb], axis=-1)
    return cls_t, cen_t, reg_t


def kernel(cls_p3, cls_p4, cls_p5, cls_p6, cls_p7,
           cen_p3, cen_p4, cen_p5, cen_p6, cen_p7,
           reg_p3, reg_p4, reg_p5, reg_p6, reg_p7,
           gt_box, labels):
    return _gen_targets_sc(gt_box, labels)

# --- scband reference (transcript-rebuilt; emitter-appended) ---
"""Pipeline reference for scband-gen-targets-10393820856846 (READ-ONLY COPY).

The authoritative reference and input builder live on the scoring server;
editing this copy changes nothing except your own understanding.
"""

import jax, jax.numpy as jnp
import numpy as np

STRIDES = [8, 16, 32, 64, 128]
LIMIT_RANGE = [[-1, 64], [64, 128], [128, 256], [256, 512], [512, 999999]]
SAMPLE_RADIO_RATIO = 1.5


def _gen_target(H, W, gt_box, labels, stride, lim):
    B = gt_box.shape[0]
    xs = jnp.arange(W, dtype=jnp.float32) * stride + stride // 2
    ys = jnp.arange(H, dtype=jnp.float32) * stride + stride // 2
    yy, xx = jnp.meshgrid(ys, xs, indexing='ij')
    x = xx.reshape(-1)
    y = yy.reshape(-1)
    hw = H * W
    l = x[None, :, None] - gt_box[..., 0][:, None, :]
    t = y[None, :, None] - gt_box[..., 1][:, None, :]
    r = gt_box[..., 2][:, None, :] - x[None, :, None]
    b = gt_box[..., 3][:, None, :] - y[None, :, None]
    off = jnp.stack([l, t, r, b], axis=-1)  # [B, hw, M, 4]
    area = (off[..., 0] + off[..., 2]) * (off[..., 1] + off[..., 3])
    off_min = jnp.min(off, axis=-1)
    off_max = jnp.max(off, axis=-1)
    mask_gt = off_min > 0
    mask_lv = (off_max > lim[0]) & (off_max <= lim[1])
    ratio = stride * SAMPLE_RADIO_RATIO
    cx = (gt_box[..., 0] + gt_box[..., 2]) / 2.0
    cy = (gt_box[..., 1] + gt_box[..., 3]) / 2.0
    g_off = jnp.stack([
        x[None, :, None] - cx[:, None, :],
        y[None, :, None] - cy[:, None, :],
        cx[:, None, :] - x[None, :, None],
        cy[:, None, :] - y[None, :, None],
    ], axis=-1)
    mask_center = jnp.max(g_off, axis=-1) < ratio
    mask_pos = mask_gt & mask_lv & mask_center
    area_m = jnp.where(mask_pos, area, 99999999.0)
    idx = jnp.argmin(area_m, axis=-1)  # [B, hw]
    M = gt_box.shape[1]
    idx4 = jnp.broadcast_to(idx[:, :, None, None], (B, hw, 1, 4))
    reg_t = jnp.take_along_axis(off, idx4, axis=2)[:, :, 0, :]  # [B, hw, 4]
    cls_b = jnp.broadcast_to(labels[:, None, :], (B, hw, M))
    cls_t = jnp.take_along_axis(cls_b, idx[:, :, None], axis=2)  # [B, hw, 1]
    lr_min = jnp.minimum(reg_t[..., 0], reg_t[..., 2])
    lr_max = jnp.maximum(reg_t[..., 0], reg_t[..., 2])
    tb_min = jnp.minimum(reg_t[..., 1], reg_t[..., 3])
    tb_max = jnp.maximum(reg_t[..., 1], reg_t[..., 3])
    mask_pos_2 = jnp.sum(mask_pos.astype(jnp.int32), axis=-1) >= 1  # [B, hw]
    val = lr_min * tb_min / (lr_max * tb_max + 1e-10)
    cen_t = jnp.where(mask_pos_2, jnp.sqrt(jnp.where(mask_pos_2, val, 1.0)), -1.0)[..., None]
    cls_t = jnp.where(mask_pos_2[..., None], cls_t, 0)
    reg_t = jnp.where(mask_pos_2[..., None], reg_t, -1.0)
    return cls_t, cen_t, reg_t


def setup_inputs(seed: int = 0) -> dict:
    key = jax.random.key(seed)
    ks = jax.random.split(key, 20)
    B, C, M = 8, 80, 64
    hws = [(64, 64), (32, 32), (16, 16), (8, 8), (4, 4)]
    inp = {}
    for i, (h, w) in enumerate(hws):
        inp['cls_p%d' % (i + 3)] = jax.random.normal(ks[i], (B, C, h, w), dtype=jnp.float32)
        inp['cen_p%d' % (i + 3)] = jax.random.normal(ks[5 + i], (B, 1, h, w), dtype=jnp.float32)
        inp['reg_p%d' % (i + 3)] = jax.random.normal(ks[10 + i], (B, 4, h, w), dtype=jnp.float32)
    cxy = jax.random.uniform(ks[15], (B, M, 2), minval=32.0, maxval=480.0)
    half = jax.random.uniform(ks[16], (B, M, 2), minval=8.0, maxval=128.0)
    inp['gt_box'] = jnp.concatenate([cxy - half, cxy + half], axis=-1)
    inp['labels'] = jax.random.randint(ks[17], (B, M), 1, 80).astype(jnp.int64)
    return inp


def reference(cls_p3, cls_p4, cls_p5, cls_p6, cls_p7,
              cen_p3, cen_p4, cen_p5, cen_p6, cen_p7,
              reg_p3, reg_p4, reg_p5, reg_p6, reg_p7,
              gt_box, labels):
    cls_list = [cls_p3, cls_p4, cls_p5, cls_p6, cls_p7]
    outs = []
    for lv in range(5):
        H, W = cls_list[lv].shape[2], cls_list[lv].shape[3]
        outs.append(_gen_target(H, W, gt_box, labels, STRIDES[lv], LIMIT_RANGE[lv]))
    cls_t = jnp.concatenate([o[0] for o in outs], axis=1)
    cen_t = jnp.concatenate([o[1] for o in outs], axis=1)
    reg_t = jnp.concatenate([o[2] for o in outs], axis=1)
    return (cls_t, cen_t, reg_t)

if __name__ == "__main__":
    import jax
    _d = setup_inputs()
    print(jax.jit(kernel)(*tuple(_d.values())))

</pallas_src>

<mosaic_0001>
#map = affine_map<(d0, d1) -> (0)>
module attributes {stable_mosaic.version = 14 : i64} {
  func.func @_sc_body(%arg0: i32, %arg1: i32, %arg2: memref<4096xf32, #tpu.memory_space<hbm>>, %arg3: memref<5504xf32, #tpu.memory_space<hbm>>, %arg4: memref<5504xf32, #tpu.memory_space<hbm>>, %arg5: memref<44032xf32, #tpu.memory_space<hbm>>, %arg6: memref<44032xf32, #tpu.memory_space<hbm>>, %arg7: memref<44032xf32, #tpu.memory_space<hbm>>, %arg8: memref<44032xf32, #tpu.memory_space<hbm>>, %arg9: memref<44032xf32, #tpu.memory_space<hbm>>, %arg10: memref<44032xf32, #tpu.memory_space<hbm>>, %arg11: memref<5504xf32, #tpu.memory_space<vmem>>, %arg12: memref<5504xf32, #tpu.memory_space<vmem>>, %arg13: memref<512xf32, #tpu.memory_space<vmem>>, %arg14: memref<5504xf32, #tpu.memory_space<vmem>>, %arg15: memref<5504xf32, #tpu.memory_space<vmem>>, %arg16: memref<2752xf32, #tpu.memory_space<vmem>>, %arg17: memref<8256xf32, #tpu.memory_space<vmem>>, %arg18: memref<88064xf32, #tpu.memory_space<vmem_shared>>, %arg19: memref<88064xf32, #tpu.memory_space<vmem_shared>>) attributes {dimension_semantics = [#tpu.dimension_semantics<core_parallel>, #tpu.dimension_semantics<subcore_parallel>], iteration_bounds = array<i64: 2, 16>, scalar_prefetch = 0 : i64, scratch_operands = 9 : i64, tpu.core_type = #tpu.core_type<sc_vector_subcore>, window_params = [{transform_indices = #map}, {transform_indices = #map}, {transform_indices = #map}, {transform_indices = #map}, {transform_indices = #map}, {transform_indices = #map}, {transform_indices = #map}, {transform_indices = #map}, {transform_indices = #map}]} {
    %mul3A = arith.constant 4 : i32
    %mul3A_0 = arith.muli %arg0, %mul3A : i32
    %jit3A = arith.constant 4 : i32
    %eq3A = arith.constant 0 : i32
    %eq3A_1 = arith.cmpi eq, %jit3A, %eq3A : i32
    %jit3A_2 = arith.constant 1 : i32
    %select_n3A = arith.select %eq3A_1, %jit3A_2, %jit3A : i32
    %rem3A = arith.remsi %arg1, %select_n3A : i32
    %ne3A = arith.constant 0 : i32
    %ne3A_3 = arith.cmpi ne, %rem3A, %ne3A : i32
    %lt3A = arith.constant 0 : i32
    %lt3A_4 = arith.cmpi slt, %rem3A, %lt3A : i32
    %lt3A_5 = arith.constant 0 : i32
    %lt3A_6 = arith.cmpi slt, %select_n3A, %lt3A_5 : i32
    %ne3A_7 = arith.xori %lt3A_4, %lt3A_6 : i1
    %and3A = arith.andi %ne3A_7, %ne3A_3 : i1
    %add3A = arith.addi %rem3A, %select_n3A : i32
    %select_n3A_8 = arith.select %and3A, %add3A, %rem3A : i32
    %add3A_9 = arith.addi %mul3A_0, %select_n3A_8 : i32
    %jit3A_10 = arith.constant 4 : i32
    %div3A = arith.divsi %arg1, %jit3A_10 : i32
    %sign3A = arith.constant 0 : i32
    %sign3A_11 = arith.cmpi sgt, %arg1, %sign3A : i32
    %sign3A_12 = arith.extui %sign3A_11 : i1 to i32
    %sign3A_13 = arith.constant 0 : i32
    %sign3A_14 = arith.cmpi slt, %arg1, %sign3A_13 : i32
    %sign3A_15 = arith.extui %sign3A_14 : i1 to i32
    %sign3A_16 = arith.subi %sign3A_12, %sign3A_15 : i32
    %sign3A_17 = arith.constant 0 : i32
    %sign3A_18 = arith.cmpi sgt, %jit3A_10, %sign3A_17 : i32
    %sign3A_19 = arith.extui %sign3A_18 : i1 to i32
    %sign3A_20 = arith.constant 0 : i32
    %sign3A_21 = arith.cmpi slt, %jit3A_10, %sign3A_20 : i32
    %sign3A_22 = arith.extui %sign3A_21 : i1 to i32
    %sign3A_23 = arith.subi %sign3A_19, %sign3A_22 : i32
    %ne3A_24 = arith.cmpi ne, %sign3A_16, %sign3A_23 : i32
    %rem3A_25 = arith.remsi %arg1, %jit3A_10 : i32
    %ne3A_26 = arith.constant 0 : i32
    %ne3A_27 = arith.cmpi ne, %rem3A_25, %ne3A_26 : i32
    %and3A_28 = arith.andi %ne3A_24, %ne3A_27 : i1
    %sub3A = arith.constant 1 : i32
    %sub3A_29 = arith.subi %div3A, %sub3A : i32
    %select_n3A_30 = arith.select %and3A_28, %sub3A_29, %div3A : i32
    %iota3A = tpu.iota {dimensions = array<i32: 0>} : vector<16xi32>
    %broadcast_in_dim3A = arith.constant 0.000000e+00 : f32
    %broadcast_in_dim3A_31 = vector.broadcast %broadcast_in_dim3A : f32 to vector<16xf32>
    %broadcast_in_dim3A_32 = arith.constant 0 : i32
    %broadcast_in_dim3A_33 = vector.broadcast %broadcast_in_dim3A_32 : i32 to vector<16xi32>
    %mul3A_34 = arith.constant 512 : i32
    %mul3A_35 = arith.muli %add3A_9, %mul3A_34 : i32
    "tpu.region"() ({
      %run_scoped3A = tpu.sem_alloc : memref<!tpu.dma_semaphore, #tpu.memory_space<semaphore_mem>>
      %dma_start3A = tpu.memref_slice %arg2[%mul3A_35] : memref<4096xf32, #tpu.memory_space<hbm>> -> memref<512xf32, #tpu.memory_space<hbm>>
      %dma_start3A_163 = tpu.memref_slice %arg2[%mul3A_35] : memref<4096xf32, #tpu.memory_space<hbm>> -> memref<512xf32, #tpu.memory_space<hbm>>
      tpu.enqueue_dma source(%dma_start3A_163 : memref<512xf32, #tpu.memory_space<hbm>>) target(%arg13 : memref<512xf32, #tpu.memory_space<vmem>>) target_semaphore(%run_scoped3A : memref<!tpu.dma_semaphore, #tpu.memory_space<semaphore_mem>>)
      %dma_wait3A = tpu.memref_slice %arg2[%mul3A_35] : memref<4096xf32, #tpu.memory_space<hbm>> -> memref<512xf32, #tpu.memory_space<hbm>>
      %dma_wait3A_164 = tpu.memref_slice %arg2[%mul3A_35] : memref<4096xf32, #tpu.memory_space<hbm>> -> memref<512xf32, #tpu.memory_space<hbm>>
      tpu.wait_dma2 semaphore(%run_scoped3A : memref<!tpu.dma_semaphore, #tpu.memory_space<semaphore_mem>>) src(%dma_wait3A_164 : memref<512xf32, #tpu.memory_space<hbm>>) dst(%arg13 : memref<512xf32, #tpu.memory_space<vmem>>)
      tpu.yield
    }) : () -> ()
    %scan3A = arith.constant 0 : i32
    %scan3A_36 = arith.constant 0 : i32
    %scan3A_37 = arith.constant 344 : i32
    %scan3A_38 = arith.addi %scan3A_36, %scan3A_37 : i32
    %scan3A_39 = arith.constant 1 : i32
    scf.for %scan3A_163 = %scan3A_36 to %scan3A_38 step %scan3A_39  : i32 {
      %add3A_164 = arith.constant 1.000000e+08 : f32
      %add3A_165 = vector.broadcast %add3A_164 : f32 to vector<16xf32>
      %add3A_166 = arith.addf %broadcast_in_dim3A_31, %add3A_165 : vector<16xf32>
      %mul3A_167 = arith.constant 16 : i32
      %mul3A_168 = arith.muli %scan3A_163, %mul3A_167 : i32
      %swap3A = arith.index_cast %mul3A_168 : i32 to index
      %swap3A_169 = tpu.vector_load %arg11[%swap3A] {strides = array<i32>} : memref<5504xf32, #tpu.memory_space<vmem>>, vector<16xf32>,
      tpu.vector_store %arg11[%swap3A], %add3A_166 {strides = array<i32>} : memref<5504xf32, #tpu.memory_space<vmem>>, vector<16xf32>,
      %mul3A_170 = arith.constant 16 : i32
      %mul3A_171 = arith.muli %scan3A_163, %mul3A_170 : i32
      %swap3A_172 = arith.index_cast %mul3A_171 : i32 to index
      %swap3A_173 = tpu.vector_load %arg12[%swap3A_172] {strides = array<i32>} : memref<5504xf32, #tpu.memory_space<vmem>>, vector<16xf32>,
      tpu.vector_store %arg12[%swap3A_172], %broadcast_in_dim3A_31 {strides = array<i32>} : memref<5504xf32, #tpu.memory_space<vmem>>, vector<16xf32>,
    }
    %scan3A_40 = arith.constant 344 : i32
    %and3A_41 = arith.constant 3 : i32
    %and3A_42 = vector.broadcast %and3A_41 : i32 to vector<16xi32>
    %and3A_43 = arith.andi %iota3A, %and3A_42 : vector<16xi32>
    %shift_right_arithmetic3A = arith.constant 2 : i32
    %shift_right_arithmetic3A_44 = vector.broadcast %shift_right_arithmetic3A : i32 to vector<16xi32>
    %shift_right_arithmetic3A_45 = arith.shrsi %iota3A, %shift_right_arithmetic3A_44 : vector<16xi32>
    %scan3A_46 = arith.constant 0 : i32
    %scan3A_47 = arith.constant 0 : i32
    %scan3A_48 = arith.constant 16 : i32
    %scan3A_49 = arith.addi %scan3A_47, %scan3A_48 : i32
    %scan3A_50 = arith.constant 1 : i32
    scf.for %scan3A_163 = %scan3A_47 to %scan3A_49 step %scan3A_50  : i32 {
      %mul3A_164 = arith.constant 16 : i32
      %mul3A_165 = arith.muli %select_n3A_30, %mul3A_164 : i32
      %add3A_166 = arith.addi %mul3A_165, %scan3A_163 : i32
      %add3A_167 = vector.broadcast %add3A_166 : i32 to vector<16xi32>
      %add3A_168 = arith.addi %broadcast_in_dim3A_33, %add3A_167 : vector<16xi32>
      %gather3A = tpu.vector_load_idx %arg13[%add3A_168] : memref<512xf32, #tpu.memory_space<vmem>>[vector<16xi32>], vector<16xf32>,
      %add3A_169 = arith.constant 64 : i32
      %add3A_170 = vector.broadcast %add3A_169 : i32 to vector<16xi32>
      %add3A_171 = arith.addi %add3A_168, %add3A_170 : vector<16xi32>
      %gather3A_172 = tpu.vector_load_idx %arg13[%add3A_171] : memref<512xf32, #tpu.memory_space<vmem>>[vector<16xi32>], vector<16xf32>,
      %add3A_173 = arith.constant 128 : i32
      %add3A_174 = vector.broadcast %add3A_173 : i32 to vector<16xi32>
      %add3A_175 = arith.addi %add3A_168, %add3A_174 : vector<16xi32>
      %gather3A_176 = tpu.vector_load_idx %arg13[%add3A_175] : memref<512xf32, #tpu.memory_space<vmem>>[vector<16xi32>], vector<16xf32>,
      %add3A_177 = arith.constant 192 : i32
      %add3A_178 = vector.broadcast %add3A_177 : i32 to vector<16xi32>
      %add3A_179 = arith.addi %add3A_168, %add3A_178 : vector<16xi32>
      %gather3A_180 = tpu.vector_load_idx %arg13[%add3A_179] : memref<512xf32, #tpu.memory_space<vmem>>[vector<16xi32>], vector<16xf32>,
      %add3A_181 = arith.addf %gather3A, %gather3A_176 : vector<16xf32>
      %div3A_182 = arith.constant 2.000000e+00 : f32
      %div3A_183 = vector.broadcast %div3A_182 : f32 to vector<16xf32>
      %div3A_184 = arith.divf %add3A_181, %div3A_183 : vector<16xf32>
      %add3A_185 = arith.addf %gather3A_172, %gather3A_180 : vector<16xf32>
      %div3A_186 = arith.constant 2.000000e+00 : f32
      %div3A_187 = vector.broadcast %div3A_186 : f32 to vector<16xf32>
      %div3A_188 = arith.divf %add3A_185, %div3A_187 : vector<16xf32>
      %convert_element_type3A = arith.sitofp %add3A_166 : i32 to f32
      %add3A_189 = vector.broadcast %convert_element_type3A : f32 to vector<16xf32>
      %add3A_190 = arith.addf %broadcast_in_dim3A_31, %add3A_189 : vector<16xf32>
      %mul3A_191 = arith.constant 1.250000e-01 : f32
      %mul3A_192 = vector.broadcast %mul3A_191 : f32 to vector<16xf32>
      %mul3A_193 = arith.mulf %div3A_184, %mul3A_192 : vector<16xf32>
      %convert_element_type3A_194 = arith.fptosi %mul3A_193 : vector<16xf32> to vector<16xi32>
      %sub3A_195 = arith.constant 1 : i32
      %sub3A_196 = vector.broadcast %sub3A_195 : i32 to vector<16xi32>
      %sub3A_197 = arith.subi %convert_element_type3A_194, %sub3A_196 : vector<16xi32>
      %mul3A_198 = arith.constant 1.250000e-01 : f32
      %mul3A_199 = vector.broadcast %mul3A_198 : f32 to vector<16xf32>
      %mul3A_200 = arith.mulf %div3A_188, %mul3A_199 : vector<16xf32>
      %convert_element_type3A_201 = arith.fptosi %mul3A_200 : vector<16xf32> to vector<16xi32>
      %sub3A_202 = arith.constant 1 : i32
      %sub3A_203 = vector.broadcast %sub3A_202 : i32 to vector<16xi32>
      %sub3A_204 = arith.subi %convert_element_type3A_201, %sub3A_203 : vector<16xi32>
      %add3A_205 = arith.addi %sub3A_197, %and3A_43 : vector<16xi32>
      %add3A_206 = arith.addi %sub3A_204, %shift_right_arithmetic3A_45 : vector<16xi32>
      %ge3A = arith.constant 0 : i32
      %ge3A_207 = vector.broadcast %ge3A : i32 to vector<16xi32>
      %ge3A_208 = arith.cmpi sge, %add3A_205, %ge3A_207 : vector<16xi32>
      %lt3A_209 = arith.constant 64 : i32
      %lt3A_210 = vector.broadcast %lt3A_209 : i32 to vector<16xi32>
      %lt3A_211 = arith.cmpi slt, %add3A_205, %lt3A_210 : vector<16xi32>
      %and3A_212 = arith.andi %ge3A_208, %lt3A_211 : vector<16xi1>
      %ge3A_213 = arith.constant 0 : i32
      %ge3A_214 = vector.broadcast %ge3A_213 : i32 to vector<16xi32>
      %ge3A_215 = arith.cmpi sge, %add3A_206, %ge3A_214 : vector<16xi32>
      %and3A_216 = arith.andi %and3A_212, %ge3A_215 : vector<16xi1>
      %lt3A_217 = arith.constant 64 : i32
      %lt3A_218 = vector.broadcast %lt3A_217 : i32 to vector<16xi32>
      %lt3A_219 = arith.cmpi slt, %add3A_206, %lt3A_218 : vector<16xi32>
      %and3A_220 = arith.andi %and3A_216, %lt3A_219 : vector<16xi1>
      %convert_element_type3A_221 = arith.sitofp %add3A_205 : vector<16xi32> to vector<16xf32>
      %mul3A_222 = arith.constant 8.000000e+00 : f32
      %mul3A_223 = vector.broadcast %mul3A_222 : f32 to vector<16xf32>
      %mul3A_224 = arith.mulf %convert_element_type3A_221, %mul3A_223 : vector<16xf32>
      %add3A_225 = arith.constant 4.000000e+00 : f32
      %add3A_226 = vector.broadcast %add3A_225 : f32 to vector<16xf32>
      %add3A_227 = arith.addf %mul3A_224, %add3A_226 : vector<16xf32>
      %convert_element_type3A_228 = arith.sitofp %add3A_206 : vector<16xi32> to vector<16xf32>
      %mul3A_229 = arith.constant 8.000000e+00 : f32
      %mul3A_230 = vector.broadcast %mul3A_229 : f32 to vector<16xf32>
      %mul3A_231 = arith.mulf %convert_element_type3A_228, %mul3A_230 : vector<16xf32>
      %add3A_232 = arith.constant 4.000000e+00 : f32
      %add3A_233 = vector.broadcast %add3A_232 : f32 to vector<16xf32>
      %add3A_234 = arith.addf %mul3A_231, %add3A_233 : vector<16xf32>
      %sub3A_235 = arith.subf %add3A_227, %gather3A : vector<16xf32>
      %sub3A_236 = arith.subf %add3A_234, %gather3A_172 : vector<16xf32>
      %sub3A_237 = arith.subf %gather3A_176, %add3A_227 : vector<16xf32>
      %sub3A_238 = arith.subf %gather3A_180, %add3A_234 : vector<16xf32>
      %min3A = arith.minimumf %sub3A_235, %sub3A_236 : vector<16xf32>
      %min3A_239 = arith.minimumf %sub3A_237, %sub3A_238 : vector<16xf32>
      %min3A_240 = arith.minimumf %min3A, %min3A_239 : vector<16xf32>
      %max3A = arith.maximumf %sub3A_235, %sub3A_236 : vector<16xf32>
      %max3A_241 = arith.maximumf %sub3A_237, %sub3A_238 : vector<16xf32>
      %max3A_242 = arith.maximumf %max3A, %max3A_241 : vector<16xf32>
      %add3A_243 = arith.addf %sub3A_235, %sub3A_237 : vector<16xf32>
      %add3A_244 = arith.addf %sub3A_236, %sub3A_238 : vector<16xf32>
      %mul3A_245 = arith.mulf %add3A_243, %add3A_244 : vector<16xf32>
      %sub3A_246 = arith.subf %add3A_227, %div3A_184 : vector<16xf32>
      %sub3A_247 = arith.subf %div3A_184, %add3A_227 : vector<16xf32>
      %max3A_248 = arith.maximumf %sub3A_246, %sub3A_247 : vector<16xf32>
      %sub3A_249 = arith.subf %add3A_234, %div3A_188 : vector<16xf32>
      %sub3A_250 = arith.subf %div3A_188, %add3A_234 : vector<16xf32>
      %max3A_251 = arith.maximumf %sub3A_249, %sub3A_250 : vector<16xf32>
      %max3A_252 = arith.maximumf %max3A_248, %max3A_251 : vector<16xf32>
      %gt3A = arith.constant 0.000000e+00 : f32
      %gt3A_253 = vector.broadcast %gt3A : f32 to vector<16xf32>
      %gt3A_254 = arith.cmpf ogt, %min3A_240, %gt3A_253 : vector<16xf32>
      %gt3A_255 = arith.constant -1.000000e+00 : f32
      %gt3A_256 = vector.broadcast %gt3A_255 : f32 to vector<16xf32>
      %gt3A_257 = arith.cmpf ogt, %max3A_242, %gt3A_256 : vector<16xf32>
      %and3A_258 = arith.andi %gt3A_254, %gt3A_257 : vector<16xi1>
      %le3A = arith.constant 6.400000e+01 : f32
      %le3A_259 = vector.broadcast %le3A : f32 to vector<16xf32>
      %le3A_260 = arith.cmpf ole, %max3A_242, %le3A_259 : vector<16xf32>
      %and3A_261 = arith.andi %and3A_258, %le3A_260 : vector<16xi1>
      %lt3A_262 = arith.constant 1.200000e+01 : f32
      %lt3A_263 = vector.broadcast %lt3A_262 : f32 to vector<16xf32>
      %lt3A_264 = arith.cmpf olt, %max3A_252, %lt3A_263 : vector<16xf32>
      %and3A_265 = arith.andi %and3A_261, %lt3A_264 : vector<16xi1>
      %and3A_266 = arith.andi %and3A_265, %and3A_220 : vector<16xi1>
      %mul3A_267 = arith.constant 64 : i32
      %mul3A_268 = vector.broadcast %mul3A_267 : i32 to vector<16xi32>
      %mul3A_269 = arith.muli %add3A_206, %mul3A_268 : vector<16xi32>
      %add3A_270 = arith.constant 0 : i32
      %add3A_271 = vector.broadcast %add3A_270 : i32 to vector<16xi32>
      %add3A_272 = arith.addi %add3A_271, %mul3A_269 : vector<16xi32>
      %add3A_273 = arith.addi %add3A_272, %add3A_205 : vector<16xi32>
      %jit3A_274 = arith.constant 0 : i32
      %jit3A_275 = arith.constant 5503 : i32
      %max3A_276 = vector.broadcast %jit3A_274 : i32 to vector<16xi32>
      %max3A_277 = arith.maxsi %max3A_276, %add3A_273 : vector<16xi32>
      %min3A_278 = vector.broadcast %jit3A_275 : i32 to vector<16xi32>
      %min3A_279 = arith.minsi %min3A_278, %max3A_277 : vector<16xi32>
      %gather3A_280 = tpu.vector_load_idx %arg11[%min3A_279] : memref<5504xf32, #tpu.memory_space<vmem>>[vector<16xi32>], vector<16xf32>,
      %lt3A_281 = arith.cmpf olt, %mul3A_245, %gather3A_280 : vector<16xf32>
      %and3A_282 = arith.andi %and3A_266, %lt3A_281 : vector<16xi1>
      tpu.vector_store_idx %arg11[%min3A_279], %mul3A_245 masked %and3A_282 : memref<5504xf32, #tpu.memory_space<vmem>>[vector<16xi32>], vector<16xf32>, vector<16xi1>
      tpu.vector_store_idx %arg12[%min3A_279], %add3A_190 masked %and3A_282 : memref<5504xf32, #tpu.memory_space<vmem>>[vector<16xi32>], vector<16xf32>, vector<16xi1>
      %mul3A_283 = arith.constant 6.250000e-02 : f32
      %mul3A_284 = vector.broadcast %mul3A_283 : f32 to vector<16xf32>
      %mul3A_285 = arith.mulf %div3A_184, %mul3A_284 : vector<16xf32>
      %convert_element_type3A_286 = arith.fptosi %mul3A_285 : vector<16xf32> to vector<16xi32>
      %sub3A_287 = arith.constant 1 : i32
      %sub3A_288 = vector.broadcast %sub3A_287 : i32 to vector<16xi32>
      %sub3A_289 = arith.subi %convert_element_type3A_286, %sub3A_288 : vector<16xi32>
      %mul3A_290 = arith.constant 6.250000e-02 : f32
      %mul3A_291 = vector.broadcast %mul3A_290 : f32 to vector<16xf32>
      %mul3A_292 = arith.mulf %div3A_188, %mul3A_291 : vector<16xf32>
      %convert_element_type3A_293 = arith.fptosi %mul3A_292 : vector<16xf32> to vector<16xi32>
      %sub3A_294 = arith.constant 1 : i32
      %sub3A_295 = vector.broadcast %sub3A_294 : i32 to vector<16xi32>
      %sub3A_296 = arith.subi %convert_element_type3A_293, %sub3A_295 : vector<16xi32>
      %add3A_297 = arith.addi %sub3A_289, %and3A_43 : vector<16xi32>
      %add3A_298 = arith.addi %sub3A_296, %shift_right_arithmetic3A_45 : vector<16xi32>
      %ge3A_299 = arith.constant 0 : i32
      %ge3A_300 = vector.broadcast %ge3A_299 : i32 to vector<16xi32>
      %ge3A_301 = arith.cmpi sge, %add3A_297, %ge3A_300 : vector<16xi32>
      %lt3A_302 = arith.constant 32 : i32
      %lt3A_303 = vector.broadcast %lt3A_302 : i32 to vector<16xi32>
      %lt3A_304 = arith.cmpi slt, %add3A_297, %lt3A_303 : vector<16xi32>
      %and3A_305 = arith.andi %ge3A_301, %lt3A_304 : vector<16xi1>
      %ge3A_306 = arith.constant 0 : i32
      %ge3A_307 = vector.broadcast %ge3A_306 : i32 to vector<16xi32>
      %ge3A_308 = arith.cmpi sge, %add3A_298, %ge3A_307 : vector<16xi32>
      %and3A_309 = arith.andi %and3A_305, %ge3A_308 : vector<16xi1>
      %lt3A_310 = arith.constant 32 : i32
      %lt3A_311 = vector.broadcast %lt3A_310 : i32 to vector<16xi32>
      %lt3A_312 = arith.cmpi slt, %add3A_298, %lt3A_311 : vector<16xi32>
      %and3A_313 = arith.andi %and3A_309, %lt3A_312 : vector<16xi1>
      %convert_element_type3A_314 = arith.sitofp %add3A_297 : vector<16xi32> to vector<16xf32>
      %mul3A_315 = arith.constant 1.600000e+01 : f32
      %mul3A_316 = vector.broadcast %mul3A_315 : f32 to vector<16xf32>
      %mul3A_317 = arith.mulf %convert_element_type3A_314, %mul3A_316 : vector<16xf32>
      %add3A_318 = arith.constant 8.000000e+00 : f32
      %add3A_319 = vector.broadcast %add3A_318 : f32 to vector<16xf32>
      %add3A_320 = arith.addf %mul3A_317, %add3A_319 : vector<16xf32>
      %convert_element_type3A_321 = arith.sitofp %add3A_298 : vector<16xi32> to vector<16xf32>
      %mul3A_322 = arith.constant 1.600000e+01 : f32
      %mul3A_323 = vector.broadcast %mul3A_322 : f32 to vector<16xf32>
      %mul3A_324 = arith.mulf %convert_element_type3A_321, %mul3A_323 : vector<16xf32>
      %add3A_325 = arith.constant 8.000000e+00 : f32
      %add3A_326 = vector.broadcast %add3A_325 : f32 to vector<16xf32>
      %add3A_327 = arith.addf %mul3A_324, %add3A_326 : vector<16xf32>
      %sub3A_328 = arith.subf %add3A_320, %gather3A : vector<16xf32>
      %sub3A_329 = arith.subf %add3A_327, %gather3A_172 : vector<16xf32>
      %sub3A_330 = arith.subf %gather3A_176, %add3A_320 : vector<16xf32>
      %sub3A_331 = arith.subf %gather3A_180, %add3A_327 : vector<16xf32>
      %min3A_332 = arith.minimumf %sub3A_328, %sub3A_329 : vector<16xf32>
      %min3A_333 = arith.minimumf %sub3A_330, %sub3A_331 : vector<16xf32>
      %min3A_334 = arith.minimumf %min3A_332, %min3A_333 : vector<16xf32>
      %max3A_335 = arith.maximumf %sub3A_328, %sub3A_329 : vector<16xf32>
      %max3A_336 = arith.maximumf %sub3A_330, %sub3A_331 : vector<16xf32>
      %max3A_337 = arith.maximumf %max3A_335, %max3A_336 : vector<16xf32>
      %add3A_338 = arith.addf %sub3A_328, %sub3A_330 : vector<16xf32>
      %add3A_339 = arith.addf %sub3A_329, %sub3A_331 : vector<16xf32>
      %mul3A_340 = arith.mulf %add3A_338, %add3A_339 : vector<16xf32>
      %sub3A_341 = arith.subf %add3A_320, %div3A_184 : vector<16xf32>
      %sub3A_342 = arith.subf %div3A_184, %add3A_320 : vector<16xf32>
      %max3A_343 = arith.maximumf %sub3A_341, %sub3A_342 : vector<16xf32>
      %sub3A_344 = arith.subf %add3A_327, %div3A_188 : vector<16xf32>
      %sub3A_345 = arith.subf %div3A_188, %add3A_327 : vector<16xf32>
      %max3A_346 = arith.maximumf %sub3A_344, %sub3A_345 : vector<16xf32>
      %max3A_347 = arith.maximumf %max3A_343, %max3A_346 : vector<16xf32>
      %gt3A_348 = arith.constant 0.000000e+00 : f32
      %gt3A_349 = vector.broadcast %gt3A_348 : f32 to vector<16xf32>
      %gt3A_350 = arith.cmpf ogt, %min3A_334, %gt3A_349 : vector<16xf32>
      %gt3A_351 = arith.constant 6.400000e+01 : f32
      %gt3A_352 = vector.broadcast %gt3A_351 : f32 to vector<16xf32>
      %gt3A_353 = arith.cmpf ogt, %max3A_337, %gt3A_352 : vector<16xf32>
      %and3A_354 = arith.andi %gt3A_350, %gt3A_353 : vector<16xi1>
      %le3A_355 = arith.constant 1.280000e+02 : f32
      %le3A_356 = vector.broadcast %le3A_355 : f32 to vector<16xf32>
      %le3A_357 = arith.cmpf ole, %max3A_337, %le3A_356 : vector<16xf32>
      %and3A_358 = arith.andi %and3A_354, %le3A_357 : vector<16xi1>
      %lt3A_359 = arith.constant 2.400000e+01 : f32
      %lt3A_360 = vector.broadcast %lt3A_359 : f32 to vector<16xf32>
      %lt3A_361 = arith.cmpf olt, %max3A_347, %lt3A_360 : vector<16xf32>
      %and3A_362 = arith.andi %and3A_358, %lt3A_361 : vector<16xi1>
      %and3A_363 = arith.andi %and3A_362, %and3A_313 : vector<16xi1>
      %mul3A_364 = arith.constant 32 : i32
      %mul3A_365 = vector.broadcast %mul3A_364 : i32 to vector<16xi32>
      %mul3A_366 = arith.muli %add3A_298, %mul3A_365 : vector<16xi32>
      %add3A_367 = arith.constant 4096 : i32
      %add3A_368 = vector.broadcast %add3A_367 : i32 to vector<16xi32>
      %add3A_369 = arith.addi %add3A_368, %mul3A_366 : vector<16xi32>
      %add3A_370 = arith.addi %add3A_369, %add3A_297 : vector<16xi32>
      %jit3A_371 = arith.constant 0 : i32
      %jit3A_372 = arith.constant 5503 : i32
      %max3A_373 = vector.broadcast %jit3A_371 : i32 to vector<16xi32>
      %max3A_374 = arith.maxsi %max3A_373, %add3A_370 : vector<16xi32>
      %min3A_375 = vector.broadcast %jit3A_372 : i32 to vector<16xi32>
      %min3A_376 = arith.minsi %min3A_375, %max3A_374 : vector<16xi32>
      %gather3A_377 = tpu.vector_load_idx %arg11[%min3A_376] : memref<5504xf32, #tpu.memory_space<vmem>>[vector<16xi32>], vector<16xf32>,
      %lt3A_378 = arith.cmpf olt, %mul3A_340, %gather3A_377 : vector<16xf32>
      %and3A_379 = arith.andi %and3A_363, %lt3A_378 : vector<16xi1>
      tpu.vector_store_idx %arg11[%min3A_376], %mul3A_340 masked %and3A_379 : memref<5504xf32, #tpu.memory_space<vmem>>[vector<16xi32>], vector<16xf32>, vector<16xi1>
      tpu.vector_store_idx %arg12[%min3A_376], %add3A_190 masked %and3A_379 : memref<5504xf32, #tpu.memory_space<vmem>>[vector<16xi32>], vector<16xf32>, vector<16xi1>
      %mul3A_380 = arith.constant 3.125000e-02 : f32
      %mul3A_381 = vector.broadcast %mul3A_380 : f32 to vector<16xf32>
      %mul3A_382 = arith.mulf %div3A_184, %mul3A_381 : vector<16xf32>
      %convert_element_type3A_383 = arith.fptosi %mul3A_382 : vector<16xf32> to vector<16xi32>
      %sub3A_384 = arith.constant 1 : i32
      %sub3A_385 = vector.broadcast %sub3A_384 : i32 to vector<16xi32>
      %sub3A_386 = arith.subi %convert_element_type3A_383, %sub3A_385 : vector<16xi32>
      %mul3A_387 = arith.constant 3.125000e-02 : f32
      %mul3A_388 = vector.broadcast %mul3A_387 : f32 to vector<16xf32>
      %mul3A_389 = arith.mulf %div3A_188, %mul3A_388 : vector<16xf32>
      %convert_element_type3A_390 = arith.fptosi %mul3A_389 : vector<16xf32> to vector<16xi32>
      %sub3A_391 = arith.constant 1 : i32
      %sub3A_392 = vector.broadcast %sub3A_391 : i32 to vector<16xi32>
      %sub3A_393 = arith.subi %convert_element_type3A_390, %sub3A_392 : vector<16xi32>
      %add3A_394 = arith.addi %sub3A_386, %and3A_43 : vector<16xi32>
      %add3A_395 = arith.addi %sub3A_393, %shift_right_arithmetic3A_45 : vector<16xi32>
      %ge3A_396 = arith.constant 0 : i32
      %ge3A_397 = vector.broadcast %ge3A_396 : i32 to vector<16xi32>
      %ge3A_398 = arith.cmpi sge, %add3A_394, %ge3A_397 : vector<16xi32>
      %lt3A_399 = arith.constant 16 : i32
      %lt3A_400 = vector.broadcast %lt3A_399 : i32 to vector<16xi32>
      %lt3A_401 = arith.cmpi slt, %add3A_394, %lt3A_400 : vector<16xi32>
      %and3A_402 = arith.andi %ge3A_398, %lt3A_401 : vector<16xi1>
      %ge3A_403 = arith.constant 0 : i32
      %ge3A_404 = vector.broadcast %ge3A_403 : i32 to vector<16xi32>
      %ge3A_405 = arith.cmpi sge, %add3A_395, %ge3A_404 : vector<16xi32>
      %and3A_406 = arith.andi %and3A_402, %ge3A_405 : vector<16xi1>
      %lt3A_407 = arith.constant 16 : i32
      %lt3A_408 = vector.broadcast %lt3A_407 : i32 to vector<16xi32>
      %lt3A_409 = arith.cmpi slt, %add3A_395, %lt3A_408 : vector<16xi32>
      %and3A_410 = arith.andi %and3A_406, %lt3A_409 : vector<16xi1>
      %convert_element_type3A_411 = arith.sitofp %add3A_394 : vector<16xi32> to vector<16xf32>
      %mul3A_412 = arith.constant 3.200000e+01 : f32
      %mul3A_413 = vector.broadcast %mul3A_412 : f32 to vector<16xf32>
      %mul3A_414 = arith.mulf %convert_element_type3A_411, %mul3A_413 : vector<16xf32>
      %add3A_415 = arith.constant 1.600000e+01 : f32
      %add3A_416 = vector.broadcast %add3A_415 : f32 to vector<16xf32>
      %add3A_417 = arith.addf %mul3A_414, %add3A_416 : vector<16xf32>
      %convert_element_type3A_418 = arith.sitofp %add3A_395 : vector<16xi32> to vector<16xf32>
      %mul3A_419 = arith.constant 3.200000e+01 : f32
      %mul3A_420 = vector.broadcast %mul3A_419 : f32 to vector<16xf32>
      %mul3A_421 = arith.mulf %convert_element_type3A_418, %mul3A_420 : vector<16xf32>
      %add3A_422 = arith.constant 1.600000e+01 : f32
      %add3A_423 = vector.broadcast %add3A_422 : f32 to vector<16xf32>
      %add3A_424 = arith.addf %mul3A_421, %add3A_423 : vector<16xf32>
      %sub3A_425 = arith.subf %add3A_417, %gather3A : vector<16xf32>
      %sub3A_426 = arith.subf %add3A_424, %gather3A_172 : vector<16xf32>
      %sub3A_427 = arith.subf %gather3A_176, %add3A_417 : vector<16xf32>
      %sub3A_428 = arith.subf %gather3A_180, %add3A_424 : vector<16xf32>
      %min3A_429 = arith.minimumf %sub3A_425, %sub3A_426 : vector<16xf32>
      %min3A_430 = arith.minimumf %sub3A_427, %sub3A_428 : vector<16xf32>
      %min3A_431 = arith.minimumf %min3A_429, %min3A_430 : vector<16xf32>
      %max3A_432 = arith.maximumf %sub3A_425, %sub3A_426 : vector<16xf32>
      %max3A_433 = arith.maximumf %sub3A_427, %sub3A_428 : vector<16xf32>
      %max3A_434 = arith.maximumf %max3A_432, %max3A_433 : vector<16xf32>
      %add3A_435 = arith.addf %sub3A_425, %sub3A_427 : vector<16xf32>
      %add3A_436 = arith.addf %sub3A_426, %sub3A_428 : vector<16xf32>
      %mul3A_437 = arith.mulf %add3A_435, %add3A_436 : vector<16xf32>
      %sub3A_438 = arith.subf %add3A_417, %div3A_184 : vector<16xf32>
      %sub3A_439 = arith.subf %div3A_184, %add3A_417 : vector<16xf32>
      %max3A_440 = arith.maximumf %sub3A_438, %sub3A_439 : vector<16xf32>
      %sub3A_441 = arith.subf %add3A_424, %div3A_188 : vector<16xf32>
      %sub3A_442 = arith.subf %div3A_188, %add3A_424 : vector<16xf32>
      %max3A_443 = arith.maximumf %sub3A_441, %sub3A_442 : vector<16xf32>
      %max3A_444 = arith.maximumf %max3A_440, %max3A_443 : vector<16xf32>
      %gt3A_445 = arith.constant 0.000000e+00 : f32
      %gt3A_446 = vector.broadcast %gt3A_445 : f32 to vector<16xf32>
      %gt3A_447 = arith.cmpf ogt, %min3A_431, %gt3A_446 : vector<16xf32>
      %gt3A_448 = arith.constant 1.280000e+02 : f32
      %gt3A_449 = vector.broadcast %gt3A_448 : f32 to vector<16xf32>
      %gt3A_450 = arith.cmpf ogt, %max3A_434, %gt3A_449 : vector<16xf32>
      %and3A_451 = arith.andi %gt3A_447, %gt3A_450 : vector<16xi1>
      %le3A_452 = arith.constant 2.560000e+02 : f32
      %le3A_453 = vector.broadcast %le3A_452 : f32 to vector<16xf32>
      %le3A_454 = arith.cmpf ole, %max3A_434, %le3A_453 : vector<16xf32>
      %and3A_455 = arith.andi %and3A_451, %le3A_454 : vector<16xi1>
      %lt3A_456 = arith.constant 4.800000e+01 : f32
      %lt3A_457 = vector.broadcast %lt3A_456 : f32 to vector<16xf32>
      %lt3A_458 = arith.cmpf olt, %max3A_444, %lt3A_457 : vector<16xf32>
      %and3A_459 = arith.andi %and3A_455, %lt3A_458 : vector<16xi1>
      %and3A_460 = arith.andi %and3A_459, %and3A_410 : vector<16xi1>
      %mul3A_461 = arith.constant 16 : i32
      %mul3A_462 = vector.broadcast %mul3A_461 : i32 to vector<16xi32>
      %mul3A_463 = arith.muli %add3A_395, %mul3A_462 : vector<16xi32>
      %add3A_464 = arith.constant 5120 : i32
      %add3A_465 = vector.broadcast %add3A_464 : i32 to vector<16xi32>
      %add3A_466 = arith.addi %add3A_465, %mul3A_463 : vector<16xi32>
      %add3A_467 = arith.addi %add3A_466, %add3A_394 : vector<16xi32>
      %jit3A_468 = arith.constant 0 : i32
      %jit3A_469 = arith.constant 5503 : i32
      %max3A_470 = vector.broadcast %jit3A_468 : i32 to vector<16xi32>
      %max3A_471 = arith.maxsi %max3A_470, %add3A_467 : vector<16xi32>
      %min3A_472 = vector.broadcast %jit3A_469 : i32 to vector<16xi32>
      %min3A_473 = arith.minsi %min3A_472, %max3A_471 : vector<16xi32>
      %gather3A_474 = tpu.vector_load_idx %arg11[%min3A_473] : memref<5504xf32, #tpu.memory_space<vmem>>[vector<16xi32>], vector<16xf32>,
      %lt3A_475 = arith.cmpf olt, %mul3A_437, %gather3A_474 : vector<16xf32>
      %and3A_476 = arith.andi %and3A_460, %lt3A_475 : vector<16xi1>
      tpu.vector_store_idx %arg11[%min3A_473], %mul3A_437 masked %and3A_476 : memref<5504xf32, #tpu.memory_space<vmem>>[vector<16xi32>], vector<16xf32>, vector<16xi1>
      tpu.vector_store_idx %arg12[%min3A_473], %add3A_190 masked %and3A_476 : memref<5504xf32, #tpu.memory_space<vmem>>[vector<16xi32>], vector<16xf32>, vector<16xi1>
      %mul3A_477 = arith.constant 1.562500e-02 : f32
      %mul3A_478 = vector.broadcast %mul3A_477 : f32 to vector<16xf32>
      %mul3A_479 = arith.mulf %div3A_184, %mul3A_478 : vector<16xf32>
      %convert_element_type3A_480 = arith.fptosi %mul3A_479 : vector<16xf32> to vector<16xi32>
      %sub3A_481 = arith.constant 1 : i32
      %sub3A_482 = vector.broadcast %sub3A_481 : i32 to vector<16xi32>
      %sub3A_483 = arith.subi %convert_element_type3A_480, %sub3A_482 : vector<16xi32>
      %mul3A_484 = arith.constant 1.562500e-02 : f32
      %mul3A_485 = vector.broadcast %mul3A_484 : f32 to vector<16xf32>
      %mul3A_486 = arith.mulf %div3A_188, %mul3A_485 : vector<16xf32>
      %convert_element_type3A_487 = arith.fptosi %mul3A_486 : vector<16xf32> to vector<16xi32>
      %sub3A_488 = arith.constant 1 : i32
      %sub3A_489 = vector.broadcast %sub3A_488 : i32 to vector<16xi32>
      %sub3A_490 = arith.subi %convert_element_type3A_487, %sub3A_489 : vector<16xi32>
      %add3A_491 = arith.addi %sub3A_483, %and3A_43 : vector<16xi32>
      %add3A_492 = arith.addi %sub3A_490, %shift_right_arithmetic3A_45 : vector<16xi32>
      %ge3A_493 = arith.constant 0 : i32
      %ge3A_494 = vector.broadcast %ge3A_493 : i32 to vector<16xi32>
      %ge3A_495 = arith.cmpi sge, %add3A_491, %ge3A_494 : vector<16xi32>
      %lt3A_496 = arith.constant 8 : i32
      %lt3A_497 = vector.broadcast %lt3A_496 : i32 to vector<16xi32>
      %lt3A_498 = arith.cmpi slt, %add3A_491, %lt3A_497 : vector<16xi32>
      %and3A_499 = arith.andi %ge3A_495, %lt3A_498 : vector<16xi1>
      %ge3A_500 = arith.constant 0 : i32
      %ge3A_501 = vector.broadcast %ge3A_500 : i32 to vector<16xi32>
      %ge3A_502 = arith.cmpi sge, %add3A_492, %ge3A_501 : vector<16xi32>
      %and3A_503 = arith.andi %and3A_499, %ge3A_502 : vector<16xi1>
      %lt3A_504 = arith.constant 8 : i32
      %lt3A_505 = vector.broadcast %lt3A_504 : i32 to vector<16xi32>
      %lt3A_506 = arith.cmpi slt, %add3A_492, %lt3A_505 : vector<16xi32>
      %and3A_507 = arith.andi %and3A_503, %lt3A_506 : vector<16xi1>
      %convert_element_type3A_508 = arith.sitofp %add3A_491 : vector<16xi32> to vector<16xf32>
      %mul3A_509 = arith.constant 6.400000e+01 : f32
      %mul3A_510 = vector.broadcast %mul3A_509 : f32 to vector<16xf32>
      %mul3A_511 = arith.mulf %convert_element_type3A_508, %mul3A_510 : vector<16xf32>
      %add3A_512 = arith.constant 3.200000e+01 : f32
      %add3A_513 = vector.broadcast %add3A_512 : f32 to vector<16xf32>
      %add3A_514 = arith.addf %mul3A_511, %add3A_513 : vector<16xf32>
      %convert_element_type3A_515 = arith.sitofp %add3A_492 : vector<16xi32> to vector<16xf32>
      %mul3A_516 = arith.constant 6.400000e+01 : f32
      %mul3A_517 = vector.broadcast %mul3A_516 : f32 to vector<16xf32>
      %mul3A_518 = arith.mulf %convert_element_type3A_515, %mul3A_517 : vector<16xf32>
      %add3A_519 = arith.constant 3.200000e+01 : f32
      %add3A_520 = vector.broadcast %add3A_519 : f32 to vector<16xf32>
      %add3A_521 = arith.addf %mul3A_518, %add3A_520 : vector<16xf32>
      %sub3A_522 = arith.subf %add3A_514, %gather3A : vector<16xf32>
      %sub3A_523 = arith.subf %add3A_521, %gather3A_172 : vector<16xf32>
      %sub3A_524 = arith.subf %gather3A_176, %add3A_514 : vector<16xf32>
      %sub3A_525 = arith.subf %gather3A_180, %add3A_521 : vector<16xf32>
      %min3A_526 = arith.minimumf %sub3A_522, %sub3A_523 : vector<16xf32>
      %min3A_527 = arith.minimumf %sub3A_524, %sub3A_525 : vector<16xf32>
      %min3A_528 = arith.minimumf %min3A_526, %min3A_527 : vector<16xf32>
      %max3A_529 = arith.maximumf %sub3A_522, %sub3A_523 : vector<16xf32>
      %max3A_530 = arith.maximumf %sub3A_524, %sub3A_525 : vector<16xf32>
      %max3A_531 = arith.maximumf %max3A_529, %max3A_530 : vector<16xf32>
      %add3A_532 = arith.addf %sub3A_522, %sub3A_524 : vector<16xf32>
      %add3A_533 = arith.addf %sub3A_523, %sub3A_525 : vector<16xf32>
      %mul3A_534 = arith.mulf %add3A_532, %add3A_533 : vector<16xf32>
      %sub3A_535 = arith.subf %add3A_514, %div3A_184 : vector<16xf32>
      %sub3A_536 = arith.subf %div3A_184, %add3A_514 : vector<16xf32>
      %max3A_537 = arith.maximumf %sub3A_535, %sub3A_536 : vector<16xf32>
      %sub3A_538 = arith.subf %add3A_521, %div3A_188 : vector<16xf32>
      %sub3A_539 = arith.subf %div3A_188, %add3A_521 : vector<16xf32>
      %max3A_540 = arith.maximumf %sub3A_538, %sub3A_539 : vector<16xf32>
      %max3A_541 = arith.maximumf %max3A_537, %max3A_540 : vector<16xf32>
      %gt3A_542 = arith.constant 0.000000e+00 : f32
      %gt3A_543 = vector.broadcast %gt3A_542 : f32 to vector<16xf32>
      %gt3A_544 = arith.cmpf ogt, %min3A_528, %gt3A_543 : vector<16xf32>
      %gt3A_545 = arith.constant 2.560000e+02 : f32
      %gt3A_546 = vector.broadcast %gt3A_545 : f32 to vector<16xf32>
      %gt3A_547 = arith.cmpf ogt, %max3A_531, %gt3A_546 : vector<16xf32>
      %and3A_548 = arith.andi %gt3A_544, %gt3A_547 : vector<16xi1>
      %le3A_549 = arith.constant 5.120000e+02 : f32
      %le3A_550 = vector.broadcast %le3A_549 : f32 to vector<16xf32>
      %le3A_551 = arith.cmpf ole, %max3A_531, %le3A_550 : vector<16xf32>
      %and3A_552 = arith.andi %and3A_548, %le3A_551 : vector<16xi1>
      %lt3A_553 = arith.constant 9.600000e+01 : f32
      %lt3A_554 = vector.broadcast %lt3A_553 : f32 to vector<16xf32>
      %lt3A_555 = arith.cmpf olt, %max3A_541, %lt3A_554 : vector<16xf32>
      %and3A_556 = arith.andi %and3A_552, %lt3A_555 : vector<16xi1>
      %and3A_557 = arith.andi %and3A_556, %and3A_507 : vector<16xi1>
      %mul3A_558 = arith.constant 8 : i32
      %mul3A_559 = vector.broadcast %mul3A_558 : i32 to vector<16xi32>
      %mul3A_560 = arith.muli %add3A_492, %mul3A_559 : vector<16xi32>
      %add3A_561 = arith.constant 5376 : i32
      %add3A_562 = vector.broadcast %add3A_561 : i32 to vector<16xi32>
      %add3A_563 = arith.addi %add3A_562, %mul3A_560 : vector<16xi32>
      %add3A_564 = arith.addi %add3A_563, %add3A_491 : vector<16xi32>
      %jit3A_565 = arith.constant 0 : i32
      %jit3A_566 = arith.constant 5503 : i32
      %max3A_567 = vector.broadcast %jit3A_565 : i32 to vector<16xi32>
      %max3A_568 = arith.maxsi %max3A_567, %add3A_564 : vector<16xi32>
      %min3A_569 = vector.broadcast %jit3A_566 : i32 to vector<16xi32>
      %min3A_570 = arith.minsi %min3A_569, %max3A_568 : vector<16xi32>
      %gather3A_571 = tpu.vector_load_idx %arg11[%min3A_570] : memref<5504xf32, #tpu.memory_space<vmem>>[vector<16xi32>], vector<16xf32>,
      %lt3A_572 = arith.cmpf olt, %mul3A_534, %gather3A_571 : vector<16xf32>
      %and3A_573 = arith.andi %and3A_557, %lt3A_572 : vector<16xi1>
      tpu.vector_store_idx %arg11[%min3A_570], %mul3A_534 masked %and3A_573 : memref<5504xf32, #tpu.memory_space<vmem>>[vector<16xi32>], vector<16xf32>, vector<16xi1>
      tpu.vector_store_idx %arg12[%min3A_570], %add3A_190 masked %and3A_573 : memref<5504xf32, #tpu.memory_space<vmem>>[vector<16xi32>], vector<16xf32>, vector<16xi1>
      %mul3A_574 = arith.constant 7.812500e-03 : f32
      %mul3A_575 = vector.broadcast %mul3A_574 : f32 to vector<16xf32>
      %mul3A_576 = arith.mulf %div3A_184, %mul3A_575 : vector<16xf32>
      %convert_element_type3A_577 = arith.fptosi %mul3A_576 : vector<16xf32> to vector<16xi32>
      %sub3A_578 = arith.constant 1 : i32
      %sub3A_579 = vector.broadcast %sub3A_578 : i32 to vector<16xi32>
      %sub3A_580 = arith.subi %convert_element_type3A_577, %sub3A_579 : vector<16xi32>
      %mul3A_581 = arith.constant 7.812500e-03 : f32
      %mul3A_582 = vector.broadcast %mul3A_581 : f32 to vector<16xf32>
      %mul3A_583 = arith.mulf %div3A_188, %mul3A_582 : vector<16xf32>
      %convert_element_type3A_584 = arith.fptosi %mul3A_583 : vector<16xf32> to vector<16xi32>
      %sub3A_585 = arith.constant 1 : i32
      %sub3A_586 = vector.broadcast %sub3A_585 : i32 to vector<16xi32>
      %sub3A_587 = arith.subi %convert_element_type3A_584, %sub3A_586 : vector<16xi32>
      %add3A_588 = arith.addi %sub3A_580, %and3A_43 : vector<16xi32>
      %add3A_589 = arith.addi %sub3A_587, %shift_right_arithmetic3A_45 : vector<16xi32>
      %ge3A_590 = arith.constant 0 : i32
      %ge3A_591 = vector.broadcast %ge3A_590 : i32 to vector<16xi32>
      %ge3A_592 = arith.cmpi sge, %add3A_588, %ge3A_591 : vector<16xi32>
      %lt3A_593 = arith.constant 4 : i32
      %lt3A_594 = vector.broadcast %lt3A_593 : i32 to vector<16xi32>
      %lt3A_595 = arith.cmpi slt, %add3A_588, %lt3A_594 : vector<16xi32>
      %and3A_596 = arith.andi %ge3A_592, %lt3A_595 : vector<16xi1>
      %ge3A_597 = arith.constant 0 : i32
      %ge3A_598 = vector.broadcast %ge3A_597 : i32 to vector<16xi32>
      %ge3A_599 = arith.cmpi sge, %add3A_589, %ge3A_598 : vector<16xi32>
      %and3A_600 = arith.andi %and3A_596, %ge3A_599 : vector<16xi1>
      %lt3A_601 = arith.constant 4 : i32
      %lt3A_602 = vector.broadcast %lt3A_601 : i32 to vector<16xi32>
      %lt3A_603 = arith.cmpi slt, %add3A_589, %lt3A_602 : vector<16xi32>
      %and3A_604 = arith.andi %and3A_600, %lt3A_603 : vector<16xi1>
      %convert_element_type3A_605 = arith.sitofp %add3A_588 : vector<16xi32> to vector<16xf32>
      %mul3A_606 = arith.constant 1.280000e+02 : f32
      %mul3A_607 = vector.broadcast %mul3A_606 : f32 to vector<16xf32>
      %mul3A_608 = arith.mulf %convert_element_type3A_605, %mul3A_607 : vector<16xf32>
      %add3A_609 = arith.constant 6.400000e+01 : f32
      %add3A_610 = vector.broadcast %add3A_609 : f32 to vector<16xf32>
      %add3A_611 = arith.addf %mul3A_608, %add3A_610 : vector<16xf32>
      %convert_element_type3A_612 = arith.sitofp %add3A_589 : vector<16xi32> to vector<16xf32>
      %mul3A_613 = arith.constant 1.280000e+02 : f32
      %mul3A_614 = vector.broadcast %mul3A_613 : f32 to vector<16xf32>
      %mul3A_615 = arith.mulf %convert_element_type3A_612, %mul3A_614 : vector<16xf32>
      %add3A_616 = arith.constant 6.400000e+01 : f32
      %add3A_617 = vector.broadcast %add3A_616 : f32 to vector<16xf32>
      %add3A_618 = arith.addf %mul3A_615, %add3A_617 : vector<16xf32>
      %sub3A_619 = arith.subf %add3A_611, %gather3A : vector<16xf32>
      %sub3A_620 = arith.subf %add3A_618, %gather3A_172 : vector<16xf32>
      %sub3A_621 = arith.subf %gather3A_176, %add3A_611 : vector<16xf32>
      %sub3A_622 = arith.subf %gather3A_180, %add3A_618 : vector<16xf32>
      %min3A_623 = arith.minimumf %sub3A_619, %sub3A_620 : vector<16xf32>
      %min3A_624 = arith.minimumf %sub3A_621, %sub3A_622 : vector<16xf32>
      %min3A_625 = arith.minimumf %min3A_623, %min3A_624 : vector<16xf32>
      %max3A_626 = arith.maximumf %sub3A_619, %sub3A_620 : vector<16xf32>
      %max3A_627 = arith.maximumf %sub3A_621, %sub3A_622 : vector<16xf32>
      %max3A_628 = arith.maximumf %max3A_626, %max3A_627 : vector<16xf32>
      %add3A_629 = arith.addf %sub3A_619, %sub3A_621 : vector<16xf32>
      %add3A_630 = arith.addf %sub3A_620, %sub3A_622 : vector<16xf32>
      %mul3A_631 = arith.mulf %add3A_629, %add3A_630 : vector<16xf32>
      %sub3A_632 = arith.subf %add3A_611, %div3A_184 : vector<16xf32>
      %sub3A_633 = arith.subf %div3A_184, %add3A_611 : vector<16xf32>
      %max3A_634 = arith.maximumf %sub3A_632, %sub3A_633 : vector<16xf32>
      %sub3A_635 = arith.subf %add3A_618, %div3A_188 : vector<16xf32>
      %sub3A_636 = arith.subf %div3A_188, %add3A_618 : vector<16xf32>
      %max3A_637 = arith.maximumf %sub3A_635, %sub3A_636 : vector<16xf32>
      %max3A_638 = arith.maximumf %max3A_634, %max3A_637 : vector<16xf32>
      %gt3A_639 = arith.constant 0.000000e+00 : f32
      %gt3A_640 = vector.broadcast %gt3A_639 : f32 to vector<16xf32>
      %gt3A_641 = arith.cmpf ogt, %min3A_625, %gt3A_640 : vector<16xf32>
      %gt3A_642 = arith.constant 5.120000e+02 : f32
      %gt3A_643 = vector.broadcast %gt3A_642 : f32 to vector<16xf32>
      %gt3A_644 = arith.cmpf ogt, %max3A_628, %gt3A_643 : vector<16xf32>
      %and3A_645 = arith.andi %gt3A_641, %gt3A_644 : vector<16xi1>
      %le3A_646 = arith.constant 9.999990e+05 : f32
      %le3A_647 = vector.broadcast %le3A_646 : f32 to vector<16xf32>
      %le3A_648 = arith.cmpf ole, %max3A_628, %le3A_647 : vector<16xf32>
      %and3A_649 = arith.andi %and3A_645, %le3A_648 : vector<16xi1>
      %lt3A_650 = arith.constant 1.920000e+02 : f32
      %lt3A_651 = vector.broadcast %lt3A_650 : f32 to vector<16xf32>
      %lt3A_652 = arith.cmpf olt, %max3A_638, %lt3A_651 : vector<16xf32>
      %and3A_653 = arith.andi %and3A_649, %lt3A_652 : vector<16xi1>
      %and3A_654 = arith.andi %and3A_653, %and3A_604 : vector<16xi1>
      %mul3A_655 = arith.constant 4 : i32
      %mul3A_656 = vector.broadcast %mul3A_655 : i32 to vector<16xi32>
      %mul3A_657 = arith.muli %add3A_589, %mul3A_656 : vector<16xi32>
      %add3A_658 = arith.constant 5440 : i32
      %add3A_659 = vector.broadcast %add3A_658 : i32 to vector<16xi32>
      %add3A_660 = arith.addi %add3A_659, %mul3A_657 : vector<16xi32>
      %add3A_661 = arith.addi %add3A_660, %add3A_588 : vector<16xi32>
      %jit3A_662 = arith.constant 0 : i32
      %jit3A_663 = arith.constant 5503 : i32
      %max3A_664 = vector.broadcast %jit3A_662 : i32 to vector<16xi32>
      %max3A_665 = arith.maxsi %max3A_664, %add3A_661 : vector<16xi32>
      %min3A_666 = vector.broadcast %jit3A_663 : i32 to vector<16xi32>
      %min3A_667 = arith.minsi %min3A_666, %max3A_665 : vector<16xi32>
      %gather3A_668 = tpu.vector_load_idx %arg11[%min3A_667] : memref<5504xf32, #tpu.memory_space<vmem>>[vector<16xi32>], vector<16xf32>,
      %lt3A_669 = arith.cmpf olt, %mul3A_631, %gather3A_668 : vector<16xf32>
      %and3A_670 = arith.andi %and3A_654, %lt3A_669 : vector<16xi1>
      tpu.vector_store_idx %arg11[%min3A_667], %mul3A_631 masked %and3A_670 : memref<5504xf32, #tpu.memory_space<vmem>>[vector<16xi32>], vector<16xf32>, vector<16xi1>
      tpu.vector_store_idx %arg12[%min3A_667], %add3A_190 masked %and3A_670 : memref<5504xf32, #tpu.memory_space<vmem>>[vector<16xi32>], vector<16xf32>, vector<16xi1>
    }
    %scan3A_51 = arith.constant 16 : i32
    %mul3A_52 = arith.constant 1376 : i32
    %mul3A_53 = arith.muli %select_n3A_30, %mul3A_52 : i32
    "tpu.region"() ({
      %run_scoped3A = tpu.sem_alloc : memref<!tpu.dma_semaphore, #tpu.memory_space<semaphore_mem>>
      %dma_start3A = arith.constant 0 : i32
      %dma_start3A_163 = tpu.memref_slice %arg16[%dma_start3A] : memref<2752xf32, #tpu.memory_space<vmem>> -> memref<1376xf32, #tpu.memory_space<vmem>>
      %dma_start3A_164 = tpu.memref_slice %arg3[%mul3A_53] : memref<5504xf32, #tpu.memory_space<hbm>> -> memref<1376xf32, #tpu.memory_space<hbm>>
      %dma_start3A_165 = arith.constant 0 : i32
      %dma_start3A_166 = tpu.memref_slice %arg16[%dma_start3A_165] : memref<2752xf32, #tpu.memory_space<vmem>> -> memref<1376xf32, #tpu.memory_space<vmem>>
      %dma_start3A_167 = tpu.memref_slice %arg3[%mul3A_53] : memref<5504xf32, #tpu.memory_space<hbm>> -> memref<1376xf32, #tpu.memory_space<hbm>>
      tpu.enqueue_dma source(%dma_start3A_167 : memref<1376xf32, #tpu.memory_space<hbm>>) target(%dma_start3A_166 : memref<1376xf32, #tpu.memory_space<vmem>>) target_semaphore(%run_scoped3A : memref<!tpu.dma_semaphore, #tpu.memory_space<semaphore_mem>>)
      %dma_wait3A = arith.constant 0 : i32
      %dma_wait3A_168 = tpu.memref_slice %arg16[%dma_wait3A] : memref<2752xf32, #tpu.memory_space<vmem>> -> memref<1376xf32, #tpu.memory_space<vmem>>
      %dma_wait3A_169 = tpu.memref_slice %arg3[%mul3A_53] : memref<5504xf32, #tpu.memory_space<hbm>> -> memref<1376xf32, #tpu.memory_space<hbm>>
      %dma_wait3A_170 = arith.constant 0 : i32
      %dma_wait3A_171 = tpu.memref_slice %arg16[%dma_wait3A_170] : memref<2752xf32, #tpu.memory_space<vmem>> -> memref<1376xf32, #tpu.memory_space<vmem>>
      %dma_wait3A_172 = tpu.memref_slice %arg3[%mul3A_53] : memref<5504xf32, #tpu.memory_space<hbm>> -> memref<1376xf32, #tpu.memory_space<hbm>>
      tpu.wait_dma2 semaphore(%run_scoped3A : memref<!tpu.dma_semaphore, #tpu.memory_space<semaphore_mem>>) src(%dma_wait3A_172 : memref<1376xf32, #tpu.memory_space<hbm>>) dst(%dma_wait3A_171 : memref<1376xf32, #tpu.memory_space<vmem>>)
      tpu.yield
    }) : () -> ()
    "tpu.region"() ({
      %run_scoped3A = tpu.sem_alloc : memref<!tpu.dma_semaphore, #tpu.memory_space<semaphore_mem>>
      %dma_start3A = arith.constant 1376 : i32
      %dma_start3A_163 = tpu.memref_slice %arg16[%dma_start3A] : memref<2752xf32, #tpu.memory_space<vmem>> -> memref<1376xf32, #tpu.memory_space<vmem>>
      %dma_start3A_164 = tpu.memref_slice %arg4[%mul3A_53] : memref<5504xf32, #tpu.memory_space<hbm>> -> memref<1376xf32, #tpu.memory_space<hbm>>
      %dma_start3A_165 = arith.constant 1376 : i32
      %dma_start3A_166 = tpu.memref_slice %arg16[%dma_start3A_165] : memref<2752xf32, #tpu.memory_space<vmem>> -> memref<1376xf32, #tpu.memory_space<vmem>>
      %dma_start3A_167 = tpu.memref_slice %arg4[%mul3A_53] : memref<5504xf32, #tpu.memory_space<hbm>> -> memref<1376xf32, #tpu.memory_space<hbm>>
      tpu.enqueue_dma source(%dma_start3A_167 : memref<1376xf32, #tpu.memory_space<hbm>>) target(%dma_start3A_166 : memref<1376xf32, #tpu.memory_space<vmem>>) target_semaphore(%run_scoped3A : memref<!tpu.dma_semaphore, #tpu.memory_space<semaphore_mem>>)
      %dma_wait3A = arith.constant 1376 : i32
      %dma_wait3A_168 = tpu.memref_slice %arg16[%dma_wait3A] : memref<2752xf32, #tpu.memory_space<vmem>> -> memref<1376xf32, #tpu.memory_space<vmem>>
      %dma_wait3A_169 = tpu.memref_slice %arg4[%mul3A_53] : memref<5504xf32, #tpu.memory_space<hbm>> -> memref<1376xf32, #tpu.memory_space<hbm>>
      %dma_wait3A_170 = arith.constant 1376 : i32
      %dma_wait3A_171 = tpu.memref_slice %arg16[%dma_wait3A_170] : memref<2752xf32, #tpu.memory_space<vmem>> -> memref<1376xf32, #tpu.memory_space<vmem>>
      %dma_wait3A_172 = tpu.memref_slice %arg4[%mul3A_53] : memref<5504xf32, #tpu.memory_space<hbm>> -> memref<1376xf32, #tpu.memory_space<hbm>>
      tpu.wait_dma2 semaphore(%run_scoped3A : memref<!tpu.dma_semaphore, #tpu.memory_space<semaphore_mem>>) src(%dma_wait3A_172 : memref<1376xf32, #tpu.memory_space<hbm>>) dst(%dma_wait3A_171 : memref<1376xf32, #tpu.memory_space<vmem>>)
      tpu.yield
    }) : () -> ()
    %mul3A_54 = arith.constant 5504 : i32
    %mul3A_55 = arith.muli %arg1, %mul3A_54 : i32
    "tpu.region"() ({
      %run_scoped3A = tpu.sem_alloc : memref<!tpu.dma_semaphore, #tpu.memory_space<semaphore_mem>>
      %dma_start3A = tpu.memref_slice %arg18[%mul3A_55] : memref<88064xf32, #tpu.memory_space<vmem_shared>> -> memref<5504xf32, #tpu.memory_space<vmem_shared>>
      %dma_start3A_163 = tpu.memref_slice %arg18[%mul3A_55] : memref<88064xf32, #tpu.memory_space<vmem_shared>> -> memref<5504xf32, #tpu.memory_space<vmem_shared>>
      tpu.enqueue_dma source(%arg11 : memref<5504xf32, #tpu.memory_space<vmem>>) target(%dma_start3A_163 : memref<5504xf32, #tpu.memory_space<vmem_shared>>) target_semaphore(%run_scoped3A : memref<!tpu.dma_semaphore, #tpu.memory_space<semaphore_mem>>)
      %dma_wait3A = tpu.memref_slice %arg18[%mul3A_55] : memref<88064xf32, #tpu.memory_space<vmem_shared>> -> memref<5504xf32, #tpu.memory_space<vmem_shared>>
      %dma_wait3A_164 = tpu.memref_slice %arg18[%mul3A_55] : memref<88064xf32, #tpu.memory_space<vmem_shared>> -> memref<5504xf32, #tpu.memory_space<vmem_shared>>
      tpu.wait_dma2 semaphore(%run_scoped3A : memref<!tpu.dma_semaphore, #tpu.memory_space<semaphore_mem>>) src(%arg11 : memref<5504xf32, #tpu.memory_space<vmem>>) dst(%dma_wait3A_164 : memref<5504xf32, #tpu.memory_space<vmem_shared>>)
      tpu.yield
    }) : () -> ()
    %mul3A_56 = arith.constant 5504 : i32
    %mul3A_57 = arith.muli %arg1, %mul3A_56 : i32
    "tpu.region"() ({
      %run_scoped3A = tpu.sem_alloc : memref<!tpu.dma_semaphore, #tpu.memory_space<semaphore_mem>>
      %dma_start3A = tpu.memref_slice %arg19[%mul3A_57] : memref<88064xf32, #tpu.memory_space<vmem_shared>> -> memref<5504xf32, #tpu.memory_space<vmem_shared>>
      %dma_start3A_163 = tpu.memref_slice %arg19[%mul3A_57] : memref<88064xf32, #tpu.memory_space<vmem_shared>> -> memref<5504xf32, #tpu.memory_space<vmem_shared>>
      tpu.enqueue_dma source(%arg12 : memref<5504xf32, #tpu.memory_space<vmem>>) target(%dma_start3A_163 : memref<5504xf32, #tpu.memory_space<vmem_shared>>) target_semaphore(%run_scoped3A : memref<!tpu.dma_semaphore, #tpu.memory_space<semaphore_mem>>)
      %dma_wait3A = tpu.memref_slice %arg19[%mul3A_57] : memref<88064xf32, #tpu.memory_space<vmem_shared>> -> memref<5504xf32, #tpu.memory_space<vmem_shared>>
      %dma_wait3A_164 = tpu.memref_slice %arg19[%mul3A_57] : memref<88064xf32, #tpu.memory_space<vmem_shared>> -> memref<5504xf32, #tpu.memory_space<vmem_shared>>
      tpu.wait_dma2 semaphore(%run_scoped3A : memref<!tpu.dma_semaphore, #tpu.memory_space<semaphore_mem>>) src(%arg12 : memref<5504xf32, #tpu.memory_space<vmem>>) dst(%dma_wait3A_164 : memref<5504xf32, #tpu.memory_space<vmem_shared>>)
      tpu.yield
    }) : () -> ()
    %barrier3A = arith.constant 0 : index
    tpu.barrier barrier_id(%barrier3A)
    %jit3A_58 = arith.constant 4 : i32
    %eq3A_59 = arith.constant 0 : i32
    %eq3A_60 = arith.cmpi eq, %jit3A_58, %eq3A_59 : i32
    %jit3A_61 = arith.constant 1 : i32
    %select_n3A_62 = arith.select %eq3A_60, %jit3A_61, %jit3A_58 : i32
    %rem3A_63 = arith.remsi %arg1, %select_n3A_62 : i32
    %ne3A_64 = arith.constant 0 : i32
    %ne3A_65 = arith.cmpi ne, %rem3A_63, %ne3A_64 : i32
    %lt3A_66 = arith.constant 0 : i32
    %lt3A_67 = arith.cmpi slt, %rem3A_63, %lt3A_66 : i32
    %lt3A_68 = arith.constant 0 : i32
    %lt3A_69 = arith.cmpi slt, %select_n3A_62, %lt3A_68 : i32
    %ne3A_70 = arith.xori %lt3A_67, %lt3A_69 : i1
    %and3A_71 = arith.andi %ne3A_70, %ne3A_65 : i1
    %add3A_72 = arith.addi %rem3A_63, %select_n3A_62 : i32
    %select_n3A_73 = arith.select %and3A_71, %add3A_72, %rem3A_63 : i32
    %add3A_74 = arith.constant 0 : i32
    %add3A_75 = arith.addi %add3A_74, %select_n3A_73 : i32
    %mul3A_76 = arith.constant 5504 : i32
    %mul3A_77 = arith.muli %add3A_75, %mul3A_76 : i32
    %add3A_78 = arith.addi %mul3A_77, %mul3A_53 : i32
    "tpu.region"() ({
      %run_scoped3A = tpu.sem_alloc : memref<!tpu.dma_semaphore, #tpu.memory_space<semaphore_mem>>
      %dma_start3A = arith.constant 0 : i32
      %dma_start3A_163 = tpu.memref_slice %arg14[%dma_start3A] : memref<5504xf32, #tpu.memory_space<vmem>> -> memref<1376xf32, #tpu.memory_space<vmem>>
      %dma_start3A_164 = tpu.memref_slice %arg18[%add3A_78] : memref<88064xf32, #tpu.memory_space<vmem_shared>> -> memref<1376xf32, #tpu.memory_space<vmem_shared>>
      %dma_start3A_165 = arith.constant 0 : i32
      %dma_start3A_166 = tpu.memref_slice %arg14[%dma_start3A_165] : memref<5504xf32, #tpu.memory_space<vmem>> -> memref<1376xf32, #tpu.memory_space<vmem>>
      %dma_start3A_167 = tpu.memref_slice %arg18[%add3A_78] : memref<88064xf32, #tpu.memory_space<vmem_shared>> -> memref<1376xf32, #tpu.memory_space<vmem_shared>>
      tpu.enqueue_dma source(%dma_start3A_167 : memref<1376xf32, #tpu.memory_space<vmem_shared>>) target(%dma_start3A_166 : memref<1376xf32, #tpu.memory_space<vmem>>) target_semaphore(%run_scoped3A : memref<!tpu.dma_semaphore, #tpu.memory_space<semaphore_mem>>)
      %dma_wait3A = arith.constant 0 : i32
      %dma_wait3A_168 = tpu.memref_slice %arg14[%dma_wait3A] : memref<5504xf32, #tpu.memory_space<vmem>> -> memref<1376xf32, #tpu.memory_space<vmem>>
      %dma_wait3A_169 = tpu.memref_slice %arg18[%add3A_78] : memref<88064xf32, #tpu.memory_space<vmem_shared>> -> memref<1376xf32, #tpu.memory_space<vmem_shared>>
      %dma_wait3A_170 = arith.constant 0 : i32
      %dma_wait3A_171 = tpu.memref_slice %arg14[%dma_wait3A_170] : memref<5504xf32, #tpu.memory_space<vmem>> -> memref<1376xf32, #tpu.memory_space<vmem>>
      %dma_wait3A_172 = tpu.memref_slice %arg18[%add3A_78] : memref<88064xf32, #tpu.memory_space<vmem_shared>> -> memref<1376xf32, #tpu.memory_space<vmem_shared>>
      tpu.wait_dma2 semaphore(%run_scoped3A : memref<!tpu.dma_semaphore, #tpu.memory_space<semaphore_mem>>) src(%dma_wait3A_172 : memref<1376xf32, #tpu.memory_space<vmem_shared>>) dst(%dma_wait3A_171 : memref<1376xf32, #tpu.memory_space<vmem>>)
      tpu.yield
    }) : () -> ()
    %mul3A_79 = arith.constant 5504 : i32
    %mul3A_80 = arith.muli %add3A_75, %mul3A_79 : i32
    %add3A_81 = arith.addi %mul3A_80, %mul3A_53 : i32
    "tpu.region"() ({
      %run_scoped3A = tpu.sem_alloc : memref<!tpu.dma_semaphore, #tpu.memory_space<semaphore_mem>>
      %dma_start3A = arith.constant 0 : i32
      %dma_start3A_163 = tpu.memref_slice %arg15[%dma_start3A] : memref<5504xf32, #tpu.memory_space<vmem>> -> memref<1376xf32, #tpu.memory_space<vmem>>
      %dma_start3A_164 = tpu.memref_slice %arg19[%add3A_81] : memref<88064xf32, #tpu.memory_space<vmem_shared>> -> memref<1376xf32, #tpu.memory_space<vmem_shared>>
      %dma_start3A_165 = arith.constant 0 : i32
      %dma_start3A_166 = tpu.memref_slice %arg15[%dma_start3A_165] : memref<5504xf32, #tpu.memory_space<vmem>> -> memref<1376xf32, #tpu.memory_space<vmem>>
      %dma_start3A_167 = tpu.memref_slice %arg19[%add3A_81] : memref<88064xf32, #tpu.memory_space<vmem_shared>> -> memref<1376xf32, #tpu.memory_space<vmem_shared>>
      tpu.enqueue_dma source(%dma_start3A_167 : memref<1376xf32, #tpu.memory_space<vmem_shared>>) target(%dma_start3A_166 : memref<1376xf32, #tpu.memory_space<vmem>>) target_semaphore(%run_scoped3A : memref<!tpu.dma_semaphore, #tpu.memory_space<semaphore_mem>>)
      %dma_wait3A = arith.constant 0 : i32
      %dma_wait3A_168 = tpu.memref_slice %arg15[%dma_wait3A] : memref<5504xf32, #tpu.memory_space<vmem>> -> memref<1376xf32, #tpu.memory_space<vmem>>
      %dma_wait3A_169 = tpu.memref_slice %arg19[%add3A_81] : memref<88064xf32, #tpu.memory_space<vmem_shared>> -> memref<1376xf32, #tpu.memory_space<vmem_shared>>
      %dma_wait3A_170 = arith.constant 0 : i32
      %dma_wait3A_171 = tpu.memref_slice %arg15[%dma_wait3A_170] : memref<5504xf32, #tpu.memory_space<vmem>> -> memref<1376xf32, #tpu.memory_space<vmem>>
      %dma_wait3A_172 = tpu.memref_slice %arg19[%add3A_81] : memref<88064xf32, #tpu.memory_space<vmem_shared>> -> memref<1376xf32, #tpu.memory_space<vmem_shared>>
      tpu.wait_dma2 semaphore(%run_scoped3A : memref<!tpu.dma_semaphore, #tpu.memory_space<semaphore_mem>>) src(%dma_wait3A_172 : memref<1376xf32, #tpu.memory_space<vmem_shared>>) dst(%dma_wait3A_171 : memref<1376xf32, #tpu.memory_space<vmem>>)
      tpu.yield
    }) : () -> ()
    %jit3A_82 = arith.constant 4 : i32
    %eq3A_83 = arith.constant 0 : i32
    %eq3A_84 = arith.cmpi eq, %jit3A_82, %eq3A_83 : i32
    %jit3A_85 = arith.constant 1 : i32
    %select_n3A_86 = arith.select %eq3A_84, %jit3A_85, %jit3A_82 : i32
    %rem3A_87 = arith.remsi %arg1, %select_n3A_86 : i32
    %ne3A_88 = arith.constant 0 : i32
    %ne3A_89 = arith.cmpi ne, %rem3A_87, %ne3A_88 : i32
    %lt3A_90 = arith.constant 0 : i32
    %lt3A_91 = arith.cmpi slt, %rem3A_87, %lt3A_90 : i32
    %lt3A_92 = arith.constant 0 : i32
    %lt3A_93 = arith.cmpi slt, %select_n3A_86, %lt3A_92 : i32
    %ne3A_94 = arith.xori %lt3A_91, %lt3A_93 : i1
    %and3A_95 = arith.andi %ne3A_94, %ne3A_89 : i1
    %add3A_96 = arith.addi %rem3A_87, %select_n3A_86 : i32
    %select_n3A_97 = arith.select %and3A_95, %add3A_96, %rem3A_87 : i32
    %add3A_98 = arith.constant 4 : i32
    %add3A_99 = arith.addi %add3A_98, %select_n3A_97 : i32
    %mul3A_100 = arith.constant 5504 : i32
    %mul3A_101 = arith.muli %add3A_99, %mul3A_100 : i32
    %add3A_102 = arith.addi %mul3A_101, %mul3A_53 : i32
    "tpu.region"() ({
      %run_scoped3A = tpu.sem_alloc : memref<!tpu.dma_semaphore, #tpu.memory_space<semaphore_mem>>
      %dma_start3A = arith.constant 1376 : i32
      %dma_start3A_163 = tpu.memref_slice %arg14[%dma_start3A] : memref<5504xf32, #tpu.memory_space<vmem>> -> memref<1376xf32, #tpu.memory_space<vmem>>
      %dma_start3A_164 = tpu.memref_slice %arg18[%add3A_102] : memref<88064xf32, #tpu.memory_space<vmem_shared>> -> memref<1376xf32, #tpu.memory_space<vmem_shared>>
      %dma_start3A_165 = arith.constant 1376 : i32
      %dma_start3A_166 = tpu.memref_slice %arg14[%dma_start3A_165] : memref<5504xf32, #tpu.memory_space<vmem>> -> memref<1376xf32, #tpu.memory_space<vmem>>
      %dma_start3A_167 = tpu.memref_slice %arg18[%add3A_102] : memref<88064xf32, #tpu.memory_space<vmem_shared>> -> memref<1376xf32, #tpu.memory_space<vmem_shared>>
      tpu.enqueue_dma source(%dma_start3A_167 : memref<1376xf32, #tpu.memory_space<vmem_shared>>) target(%dma_start3A_166 : memref<1376xf32, #tpu.memory_space<vmem>>) target_semaphore(%run_scoped3A : memref<!tpu.dma_semaphore, #tpu.memory_space<semaphore_mem>>)
      %dma_wait3A = arith.constant 1376 : i32
      %dma_wait3A_168 = tpu.memref_slice %arg14[%dma_wait3A] : memref<5504xf32, #tpu.memory_space<vmem>> -> memref<1376xf32, #tpu.memory_space<vmem>>
      %dma_wait3A_169 = tpu.memref_slice %arg18[%add3A_102] : memref<88064xf32, #tpu.memory_space<vmem_shared>> -> memref<1376xf32, #tpu.memory_space<vmem_shared>>
      %dma_wait3A_170 = arith.constant 1376 : i32
      %dma_wait3A_171 = tpu.memref_slice %arg14[%dma_wait3A_170] : memref<5504xf32, #tpu.memory_space<vmem>> -> memref<1376xf32, #tpu.memory_space<vmem>>
      %dma_wait3A_172 = tpu.memref_slice %arg18[%add3A_102] : memref<88064xf32, #tpu.memory_space<vmem_shared>> -> memref<1376xf32, #tpu.memory_space<vmem_shared>>
      tpu.wait_dma2 semaphore(%run_scoped3A : memref<!tpu.dma_semaphore, #tpu.memory_space<semaphore_mem>>) src(%dma_wait3A_172 : memref<1376xf32, #tpu.memory_space<vmem_shared>>) dst(%dma_wait3A_171 : memref<1376xf32, #tpu.memory_space<vmem>>)
      tpu.yield
    }) : () -> ()
    %mul3A_103 = arith.constant 5504 : i32
    %mul3A_104 = arith.muli %add3A_99, %mul3A_103 : i32
    %add3A_105 = arith.addi %mul3A_104, %mul3A_53 : i32
    "tpu.region"() ({
      %run_scoped3A = tpu.sem_alloc : memref<!tpu.dma_semaphore, #tpu.memory_space<semaphore_mem>>
      %dma_start3A = arith.constant 1376 : i32
      %dma_start3A_163 = tpu.memref_slice %arg15[%dma_start3A] : memref<5504xf32, #tpu.memory_space<vmem>> -> memref<1376xf32, #tpu.memory_space<vmem>>
      %dma_start3A_164 = tpu.memref_slice %arg19[%add3A_105] : memref<88064xf32, #tpu.memory_space<vmem_shared>> -> memref<1376xf32, #tpu.memory_space<vmem_shared>>
      %dma_start3A_165 = arith.constant 1376 : i32
      %dma_start3A_166 = tpu.memref_slice %arg15[%dma_start3A_165] : memref<5504xf32, #tpu.memory_space<vmem>> -> memref<1376xf32, #tpu.memory_space<vmem>>
      %dma_start3A_167 = tpu.memref_slice %arg19[%add3A_105] : memref<88064xf32, #tpu.memory_space<vmem_shared>> -> memref<1376xf32, #tpu.memory_space<vmem_shared>>
      tpu.enqueue_dma source(%dma_start3A_167 : memref<1376xf32, #tpu.memory_space<vmem_shared>>) target(%dma_start3A_166 : memref<1376xf32, #tpu.memory_space<vmem>>) target_semaphore(%run_scoped3A : memref<!tpu.dma_semaphore, #tpu.memory_space<semaphore_mem>>)
      %dma_wait3A = arith.constant 1376 : i32
      %dma_wait3A_168 = tpu.memref_slice %arg15[%dma_wait3A] : memref<5504xf32, #tpu.memory_space<vmem>> -> memref<1376xf32, #tpu.memory_space<vmem>>
      %dma_wait3A_169 = tpu.memref_slice %arg19[%add3A_105] : memref<88064xf32, #tpu.memory_space<vmem_shared>> -> memref<1376xf32, #tpu.memory_space<vmem_shared>>
      %dma_wait3A_170 = arith.constant 1376 : i32
      %dma_wait3A_171 = tpu.memref_slice %arg15[%dma_wait3A_170] : memref<5504xf32, #tpu.memory_space<vmem>> -> memref<1376xf32, #tpu.memory_space<vmem>>
      %dma_wait3A_172 = tpu.memref_slice %arg19[%add3A_105] : memref<88064xf32, #tpu.memory_space<vmem_shared>> -> memref<1376xf32, #tpu.memory_space<vmem_shared>>
      tpu.wait_dma2 semaphore(%run_scoped3A : memref<!tpu.dma_semaphore, #tpu.memory_space<semaphore_mem>>) src(%dma_wait3A_172 : memref<1376xf32, #tpu.memory_space<vmem_shared>>) dst(%dma_wait3A_171 : memref<1376xf32, #tpu.memory_space<vmem>>)
      tpu.yield
    }) : () -> ()
    %jit3A_106 = arith.constant 4 : i32
    %eq3A_107 = arith.constant 0 : i32
    %eq3A_108 = arith.cmpi eq, %jit3A_106, %eq3A_107 : i32
    %jit3A_109 = arith.constant 1 : i32
    %select_n3A_110 = arith.select %eq3A_108, %jit3A_109, %jit3A_106 : i32
    %rem3A_111 = arith.remsi %arg1, %select_n3A_110 : i32
    %ne3A_112 = arith.constant 0 : i32
    %ne3A_113 = arith.cmpi ne, %rem3A_111, %ne3A_112 : i32
    %lt3A_114 = arith.constant 0 : i32
    %lt3A_115 = arith.cmpi slt, %rem3A_111, %lt3A_114 : i32
    %lt3A_116 = arith.constant 0 : i32
    %lt3A_117 = arith.cmpi slt, %select_n3A_110, %lt3A_116 : i32
    %ne3A_118 = arith.xori %lt3A_115, %lt3A_117 : i1
    %and3A_119 = arith.andi %ne3A_118, %ne3A_113 : i1
    %add3A_120 = arith.addi %rem3A_111, %select_n3A_110 : i32
    %select_n3A_121 = arith.select %and3A_119, %add3A_120, %rem3A_111 : i32
    %add3A_122 = arith.constant 8 : i32
    %add3A_123 = arith.addi %add3A_122, %select_n3A_121 : i32
    %mul3A_124 = arith.constant 5504 : i32
    %mul3A_125 = arith.muli %add3A_123, %mul3A_124 : i32
    %add3A_126 = arith.addi %mul3A_125, %mul3A_53 : i32
    "tpu.region"() ({
      %run_scoped3A = tpu.sem_alloc : memref<!tpu.dma_semaphore, #tpu.memory_space<semaphore_mem>>
      %dma_start3A = arith.constant 2752 : i32
      %dma_start3A_163 = tpu.memref_slice %arg14[%dma_start3A] : memref<5504xf32, #tpu.memory_space<vmem>> -> memref<1376xf32, #tpu.memory_space<vmem>>
      %dma_start3A_164 = tpu.memref_slice %arg18[%add3A_126] : memref<88064xf32, #tpu.memory_space<vmem_shared>> -> memref<1376xf32, #tpu.memory_space<vmem_shared>>
      %dma_start3A_165 = arith.constant 2752 : i32
      %dma_start3A_166 = tpu.memref_slice %arg14[%dma_start3A_165] : memref<5504xf32, #tpu.memory_space<vmem>> -> memref<1376xf32, #tpu.memory_space<vmem>>
      %dma_start3A_167 = tpu.memref_slice %arg18[%add3A_126] : memref<88064xf32, #tpu.memory_space<vmem_shared>> -> memref<1376xf32, #tpu.memory_space<vmem_shared>>
      tpu.enqueue_dma source(%dma_start3A_167 : memref<1376xf32, #tpu.memory_space<vmem_shared>>) target(%dma_start3A_166 : memref<1376xf32, #tpu.memory_space<vmem>>) target_semaphore(%run_scoped3A : memref<!tpu.dma_semaphore, #tpu.memory_space<semaphore_mem>>)
      %dma_wait3A = arith.constant 2752 : i32
      %dma_wait3A_168 = tpu.memref_slice %arg14[%dma_wait3A] : memref<5504xf32, #tpu.memory_space<vmem>> -> memref<1376xf32, #tpu.memory_space<vmem>>
      %dma_wait3A_169 = tpu.memref_slice %arg18[%add3A_126] : memref<88064xf32, #tpu.memory_space<vmem_shared>> -> memref<1376xf32, #tpu.memory_space<vmem_shared>>
      %dma_wait3A_170 = arith.constant 2752 : i32
      %dma_wait3A_171 = tpu.memref_slice %arg14[%dma_wait3A_170] : memref<5504xf32, #tpu.memory_space<vmem>> -> memref<1376xf32, #tpu.memory_space<vmem>>
      %dma_wait3A_172 = tpu.memref_slice %arg18[%add3A_126] : memref<88064xf32, #tpu.memory_space<vmem_shared>> -> memref<1376xf32, #tpu.memory_space<vmem_shared>>
      tpu.wait_dma2 semaphore(%run_scoped3A : memref<!tpu.dma_semaphore, #tpu.memory_space<semaphore_mem>>) src(%dma_wait3A_172 : memref<1376xf32, #tpu.memory_space<vmem_shared>>) dst(%dma_wait3A_171 : memref<1376xf32, #tpu.memory_space<vmem>>)
      tpu.yield
    }) : () -> ()
    %mul3A_127 = arith.constant 5504 : i32
    %mul3A_128 = arith.muli %add3A_123, %mul3A_127 : i32
    %add3A_129 = arith.addi %mul3A_128, %mul3A_53 : i32
    "tpu.region"() ({
      %run_scoped3A = tpu.sem_alloc : memref<!tpu.dma_semaphore, #tpu.memory_space<semaphore_mem>>
      %dma_start3A = arith.constant 2752 : i32
      %dma_start3A_163 = tpu.memref_slice %arg15[%dma_start3A] : memref<5504xf32, #tpu.memory_space<vmem>> -> memref<1376xf32, #tpu.memory_space<vmem>>
      %dma_start3A_164 = tpu.memref_slice %arg19[%add3A_129] : memref<88064xf32, #tpu.memory_space<vmem_shared>> -> memref<1376xf32, #tpu.memory_space<vmem_shared>>
      %dma_start3A_165 = arith.constant 2752 : i32
      %dma_start3A_166 = tpu.memref_slice %arg15[%dma_start3A_165] : memref<5504xf32, #tpu.memory_space<vmem>> -> memref<1376xf32, #tpu.memory_space<vmem>>
      %dma_start3A_167 = tpu.memref_slice %arg19[%add3A_129] : memref<88064xf32, #tpu.memory_space<vmem_shared>> -> memref<1376xf32, #tpu.memory_space<vmem_shared>>
      tpu.enqueue_dma source(%dma_start3A_167 : memref<1376xf32, #tpu.memory_space<vmem_shared>>) target(%dma_start3A_166 : memref<1376xf32, #tpu.memory_space<vmem>>) target_semaphore(%run_scoped3A : memref<!tpu.dma_semaphore, #tpu.memory_space<semaphore_mem>>)
      %dma_wait3A = arith.constant 2752 : i32
      %dma_wait3A_168 = tpu.memref_slice %arg15[%dma_wait3A] : memref<5504xf32, #tpu.memory_space<vmem>> -> memref<1376xf32, #tpu.memory_space<vmem>>
      %dma_wait3A_169 = tpu.memref_slice %arg19[%add3A_129] : memref<88064xf32, #tpu.memory_space<vmem_shared>> -> memref<1376xf32, #tpu.memory_space<vmem_shared>>
      %dma_wait3A_170 = arith.constant 2752 : i32
      %dma_wait3A_171 = tpu.memref_slice %arg15[%dma_wait3A_170] : memref<5504xf32, #tpu.memory_space<vmem>> -> memref<1376xf32, #tpu.memory_space<vmem>>
      %dma_wait3A_172 = tpu.memref_slice %arg19[%add3A_129] : memref<88064xf32, #tpu.memory_space<vmem_shared>> -> memref<1376xf32, #tpu.memory_space<vmem_shared>>
      tpu.wait_dma2 semaphore(%run_scoped3A : memref<!tpu.dma_semaphore, #tpu.memory_space<semaphore_mem>>) src(%dma_wait3A_172 : memref<1376xf32, #tpu.memory_space<vmem_shared>>) dst(%dma_wait3A_171 : memref<1376xf32, #tpu.memory_space<vmem>>)
      tpu.yield
    }) : () -> ()
    %jit3A_130 = arith.constant 4 : i32
    %eq3A_131 = arith.constant 0 : i32
    %eq3A_132 = arith.cmpi eq, %jit3A_130, %eq3A_131 : i32
    %jit3A_133 = arith.constant 1 : i32
    %select_n3A_134 = arith.select %eq3A_132, %jit3A_133, %jit3A_130 : i32
    %rem3A_135 = arith.remsi %arg1, %select_n3A_134 : i32
    %ne3A_136 = arith.constant 0 : i32
    %ne3A_137 = arith.cmpi ne, %rem3A_135, %ne3A_136 : i32
    %lt3A_138 = arith.constant 0 : i32
    %lt3A_139 = arith.cmpi slt, %rem3A_135, %lt3A_138 : i32
    %lt3A_140 = arith.constant 0 : i32
    %lt3A_141 = arith.cmpi slt, %select_n3A_134, %lt3A_140 : i32
    %ne3A_142 = arith.xori %lt3A_139, %lt3A_141 : i1
    %and3A_143 = arith.andi %ne3A_142, %ne3A_137 : i1
    %add3A_144 = arith.addi %rem3A_135, %select_n3A_134 : i32
    %select_n3A_145 = arith.select %and3A_143, %add3A_144, %rem3A_135 : i32
    %add3A_146 = arith.constant 12 : i32
    %add3A_147 = arith.addi %add3A_146, %select_n3A_145 : i32
    %mul3A_148 = arith.constant 5504 : i32
    %mul3A_149 = arith.muli %add3A_147, %mul3A_148 : i32
    %add3A_150 = arith.addi %mul3A_149, %mul3A_53 : i32
    "tpu.region"() ({
      %run_scoped3A = tpu.sem_alloc : memref<!tpu.dma_semaphore, #tpu.memory_space<semaphore_mem>>
      %dma_start3A = arith.constant 4128 : i32
      %dma_start3A_163 = tpu.memref_slice %arg14[%dma_start3A] : memref<5504xf32, #tpu.memory_space<vmem>> -> memref<1376xf32, #tpu.memory_space<vmem>>
      %dma_start3A_164 = tpu.memref_slice %arg18[%add3A_150] : memref<88064xf32, #tpu.memory_space<vmem_shared>> -> memref<1376xf32, #tpu.memory_space<vmem_shared>>
      %dma_start3A_165 = arith.constant 4128 : i32
      %dma_start3A_166 = tpu.memref_slice %arg14[%dma_start3A_165] : memref<5504xf32, #tpu.memory_space<vmem>> -> memref<1376xf32, #tpu.memory_space<vmem>>
      %dma_start3A_167 = tpu.memref_slice %arg18[%add3A_150] : memref<88064xf32, #tpu.memory_space<vmem_shared>> -> memref<1376xf32, #tpu.memory_space<vmem_shared>>
      tpu.enqueue_dma source(%dma_start3A_167 : memref<1376xf32, #tpu.memory_space<vmem_shared>>) target(%dma_start3A_166 : memref<1376xf32, #tpu.memory_space<vmem>>) target_semaphore(%run_scoped3A : memref<!tpu.dma_semaphore, #tpu.memory_space<semaphore_mem>>)
      %dma_wait3A = arith.constant 4128 : i32
      %dma_wait3A_168 = tpu.memref_slice %arg14[%dma_wait3A] : memref<5504xf32, #tpu.memory_space<vmem>> -> memref<1376xf32, #tpu.memory_space<vmem>>
      %dma_wait3A_169 = tpu.memref_slice %arg18[%add3A_150] : memref<88064xf32, #tpu.memory_space<vmem_shared>> -> memref<1376xf32, #tpu.memory_space<vmem_shared>>
      %dma_wait3A_170 = arith.constant 4128 : i32
      %dma_wait3A_171 = tpu.memref_slice %arg14[%dma_wait3A_170] : memref<5504xf32, #tpu.memory_space<vmem>> -> memref<1376xf32, #tpu.memory_space<vmem>>
      %dma_wait3A_172 = tpu.memref_slice %arg18[%add3A_150] : memref<88064xf32, #tpu.memory_space<vmem_shared>> -> memref<1376xf32, #tpu.memory_space<vmem_shared>>
      tpu.wait_dma2 semaphore(%run_scoped3A : memref<!tpu.dma_semaphore, #tpu.memory_space<semaphore_mem>>) src(%dma_wait3A_172 : memref<1376xf32, #tpu.memory_space<vmem_shared>>) dst(%dma_wait3A_171 : memref<1376xf32, #tpu.memory_space<vmem>>)
      tpu.yield
    }) : () -> ()
    %mul3A_151 = arith.constant 5504 : i32
    %mul3A_152 = arith.muli %add3A_147, %mul3A_151 : i32
    %add3A_153 = arith.addi %mul3A_152, %mul3A_53 : i32
    "tpu.region"() ({
      %run_scoped3A = tpu.sem_alloc : memref<!tpu.dma_semaphore, #tpu.memory_space<semaphore_mem>>
      %dma_start3A = arith.constant 4128 : i32
      %dma_start3A_163 = tpu.memref_slice %arg15[%dma_start3A] : memref<5504xf32, #tpu.memory_space<vmem>> -> memref<1376xf32, #tpu.memory_space<vmem>>
      %dma_start3A_164 = tpu.memref_slice %arg19[%add3A_153] : memref<88064xf32, #tpu.memory_space<vmem_shared>> -> memref<1376xf32, #tpu.memory_space<vmem_shared>>
      %dma_start3A_165 = arith.constant 4128 : i32
      %dma_start3A_166 = tpu.memref_slice %arg15[%dma_start3A_165] : memref<5504xf32, #tpu.memory_space<vmem>> -> memref<1376xf32, #tpu.memory_space<vmem>>
      %dma_start3A_167 = tpu.memref_slice %arg19[%add3A_153] : memref<88064xf32, #tpu.memory_space<vmem_shared>> -> memref<1376xf32, #tpu.memory_space<vmem_shared>>
      tpu.enqueue_dma source(%dma_start3A_167 : memref<1376xf32, #tpu.memory_space<vmem_shared>>) target(%dma_start3A_166 : memref<1376xf32, #tpu.memory_space<vmem>>) target_semaphore(%run_scoped3A : memref<!tpu.dma_semaphore, #tpu.memory_space<semaphore_mem>>)
      %dma_wait3A = arith.constant 4128 : i32
      %dma_wait3A_168 = tpu.memref_slice %arg15[%dma_wait3A] : memref<5504xf32, #tpu.memory_space<vmem>> -> memref<1376xf32, #tpu.memory_space<vmem>>
      %dma_wait3A_169 = tpu.memref_slice %arg19[%add3A_153] : memref<88064xf32, #tpu.memory_space<vmem_shared>> -> memref<1376xf32, #tpu.memory_space<vmem_shared>>
      %dma_wait3A_170 = arith.constant 4128 : i32
      %dma_wait3A_171 = tpu.memref_slice %arg15[%dma_wait3A_170] : memref<5504xf32, #tpu.memory_space<vmem>> -> memref<1376xf32, #tpu.memory_space<vmem>>
      %dma_wait3A_172 = tpu.memref_slice %arg19[%add3A_153] : memref<88064xf32, #tpu.memory_space<vmem_shared>> -> memref<1376xf32, #tpu.memory_space<vmem_shared>>
      tpu.wait_dma2 semaphore(%run_scoped3A : memref<!tpu.dma_semaphore, #tpu.memory_space<semaphore_mem>>) src(%dma_wait3A_172 : memref<1376xf32, #tpu.memory_space<vmem_shared>>) dst(%dma_wait3A_171 : memref<1376xf32, #tpu.memory_space<vmem>>)
      tpu.yield
    }) : () -> ()
    %scan3A_154 = arith.constant 0 : i32
    %scan3A_155 = arith.constant 0 : i32
    %scan3A_156 = arith.constant 86 : i32
    %scan3A_157 = arith.addi %scan3A_155, %scan3A_156 : i32
    %scan3A_158 = arith.constant 1 : i32
    scf.for %scan3A_163 = %scan3A_155 to %scan3A_157 step %scan3A_158  : i32 {
      %mul3A_164 = arith.constant 16 : i32
      %mul3A_165 = arith.muli %scan3A_163, %mul3A_164 : i32
      %get3A = arith.index_cast %mul3A_165 : i32 to index
      %get3A_166 = tpu.vector_load %arg14[%get3A] {strides = array<i32>} : memref<5504xf32, #tpu.memory_space<vmem>>, vector<16xf32>,
      %get3A_167 = arith.index_cast %mul3A_165 : i32 to index
      %get3A_168 = tpu.vector_load %arg15[%get3A_167] {strides = array<i32>} : memref<5504xf32, #tpu.memory_space<vmem>>, vector<16xf32>,
      %add3A_169 = arith.constant 1376 : i32
      %add3A_170 = arith.addi %add3A_169, %mul3A_165 : i32
      %get3A_171 = arith.index_cast %add3A_170 : i32 to index
      %get3A_172 = tpu.vector_load %arg14[%get3A_171] {strides = array<i32>} : memref<5504xf32, #tpu.memory_space<vmem>>, vector<16xf32>,
      %lt3A_173 = arith.cmpf olt, %get3A_172, %get3A_166 : vector<16xf32>
      %select_n3A_174 = arith.select %lt3A_173, %get3A_172, %get3A_166 : vector<16xi1>, vector<16xf32>
      %add3A_175 = arith.constant 1376 : i32
      %add3A_176 = arith.addi %add3A_175, %mul3A_165 : i32
      %get3A_177 = arith.index_cast %add3A_176 : i32 to index
      %get3A_178 = tpu.vector_load %arg15[%get3A_177] {strides = array<i32>} : memref<5504xf32, #tpu.memory_space<vmem>>, vector<16xf32>,
      %select_n3A_179 = arith.select %lt3A_173, %get3A_178, %get3A_168 : vector<16xi1>, vector<16xf32>
      %add3A_180 = arith.constant 2752 : i32
      %add3A_181 = arith.addi %add3A_180, %mul3A_165 : i32
      %get3A_182 = arith.index_cast %add3A_181 : i32 to index
      %get3A_183 = tpu.vector_load %arg14[%get3A_182] {strides = array<i32>} : memref<5504xf32, #tpu.memory_space<vmem>>, vector<16xf32>,
      %lt3A_184 = arith.cmpf olt, %get3A_183, %select_n3A_174 : vector<16xf32>
      %select_n3A_185 = arith.select %lt3A_184, %get3A_183, %select_n3A_174 : vector<16xi1>, vector<16xf32>
      %add3A_186 = arith.constant 2752 : i32
      %add3A_187 = arith.addi %add3A_186, %mul3A_165 : i32
      %get3A_188 = arith.index_cast %add3A_187 : i32 to index
      %get3A_189 = tpu.vector_load %arg15[%get3A_188] {strides = array<i32>} : memref<5504xf32, #tpu.memory_space<vmem>>, vector<16xf32>,
      %select_n3A_190 = arith.select %lt3A_184, %get3A_189, %select_n3A_179 : vector<16xi1>, vector<16xf32>
      %add3A_191 = arith.constant 4128 : i32
      %add3A_192 = arith.addi %add3A_191, %mul3A_165 : i32
      %get3A_193 = arith.index_cast %add3A_192 : i32 to index
      %get3A_194 = tpu.vector_load %arg14[%get3A_193] {strides = array<i32>} : memref<5504xf32, #tpu.memory_space<vmem>>, vector<16xf32>,
      %lt3A_195 = arith.cmpf olt, %get3A_194, %select_n3A_185 : vector<16xf32>
      %select_n3A_196 = arith.select %lt3A_195, %get3A_194, %select_n3A_185 : vector<16xi1>, vector<16xf32>
      %add3A_197 = arith.constant 4128 : i32
      %add3A_198 = arith.addi %add3A_197, %mul3A_165 : i32
      %get3A_199 = arith.index_cast %add3A_198 : i32 to index
      %get3A_200 = tpu.vector_load %arg15[%get3A_199] {strides = array<i32>} : memref<5504xf32, #tpu.memory_space<vmem>>, vector<16xf32>,
      %select_n3A_201 = arith.select %lt3A_195, %get3A_200, %select_n3A_190 : vector<16xi1>, vector<16xf32>
      %lt3A_202 = arith.constant 1.000000e+08 : f32
      %lt3A_203 = vector.broadcast %lt3A_202 : f32 to vector<16xf32>
      %lt3A_204 = arith.cmpf olt, %select_n3A_196, %lt3A_203 : vector<16xf32>
      %convert_element_type3A = arith.fptosi %select_n3A_201 : vector<16xf32> to vector<16xi32>
      %get3A_205 = arith.index_cast %mul3A_165 : i32 to index
      %get3A_206 = tpu.vector_load %arg16[%get3A_205] {strides = array<i32>} : memref<2752xf32, #tpu.memory_space<vmem>>, vector<16xf32>,
      %add3A_207 = arith.constant 1376 : i32
      %add3A_208 = arith.addi %add3A_207, %mul3A_165 : i32
      %get3A_209 = arith.index_cast %add3A_208 : i32 to index
      %get3A_210 = tpu.vector_load %arg16[%get3A_209] {strides = array<i32>} : memref<2752xf32, #tpu.memory_space<vmem>>, vector<16xf32>,
      %gather3A = tpu.vector_load_idx %arg13[%convert_element_type3A] : memref<512xf32, #tpu.memory_space<vmem>>[vector<16xi32>], vector<16xf32>,
      %add3A_211 = arith.constant 64 : i32
      %add3A_212 = vector.broadcast %add3A_211 : i32 to vector<16xi32>
      %add3A_213 = arith.addi %convert_element_type3A, %add3A_212 : vector<16xi32>
      %gather3A_214 = tpu.vector_load_idx %arg13[%add3A_213] : memref<512xf32, #tpu.memory_space<vmem>>[vector<16xi32>], vector<16xf32>,
      %add3A_215 = arith.constant 128 : i32
      %add3A_216 = vector.broadcast %add3A_215 : i32 to vector<16xi32>
      %add3A_217 = arith.addi %convert_element_type3A, %add3A_216 : vector<16xi32>
      %gather3A_218 = tpu.vector_load_idx %arg13[%add3A_217] : memref<512xf32, #tpu.memory_space<vmem>>[vector<16xi32>], vector<16xf32>,
      %add3A_219 = arith.constant 192 : i32
      %add3A_220 = vector.broadcast %add3A_219 : i32 to vector<16xi32>
      %add3A_221 = arith.addi %convert_element_type3A, %add3A_220 : vector<16xi32>
      %gather3A_222 = tpu.vector_load_idx %arg13[%add3A_221] : memref<512xf32, #tpu.memory_space<vmem>>[vector<16xi32>], vector<16xf32>,
      %add3A_223 = arith.constant 256 : i32
      %add3A_224 = vector.broadcast %add3A_223 : i32 to vector<16xi32>
      %add3A_225 = arith.addi %convert_element_type3A, %add3A_224 : vector<16xi32>
      %gather3A_226 = tpu.vector_load_idx %arg13[%add3A_225] : memref<512xf32, #tpu.memory_space<vmem>>[vector<16xi32>], vector<16xf32>,
      %sub3A_227 = arith.subf %get3A_206, %gather3A : vector<16xf32>
      %sub3A_228 = arith.subf %get3A_210, %gather3A_214 : vector<16xf32>
      %sub3A_229 = arith.subf %gather3A_218, %get3A_206 : vector<16xf32>
      %sub3A_230 = arith.subf %gather3A_222, %get3A_210 : vector<16xf32>
      %min3A = arith.minimumf %sub3A_227, %sub3A_229 : vector<16xf32>
      %max3A = arith.maximumf %sub3A_227, %sub3A_229 : vector<16xf32>
      %min3A_231 = arith.minimumf %sub3A_228, %sub3A_230 : vector<16xf32>
      %max3A_232 = arith.maximumf %sub3A_228, %sub3A_230 : vector<16xf32>
      %mul3A_233 = arith.mulf %min3A, %min3A_231 : vector<16xf32>
      %mul3A_234 = arith.mulf %max3A, %max3A_232 : vector<16xf32>
      %add3A_235 = arith.constant 1.000000e-10 : f32
      %add3A_236 = vector.broadcast %add3A_235 : f32 to vector<16xf32>
      %add3A_237 = arith.addf %mul3A_234, %add3A_236 : vector<16xf32>
      %div3A_238 = arith.divf %mul3A_233, %add3A_237 : vector<16xf32>
      %jit3A_239 = arith.constant 1.000000e+00 : f32
      %broadcast_in_dim3A_240 = vector.broadcast %jit3A_239 : f32 to vector<16xf32>
      %select_n3A_241 = arith.select %lt3A_204, %div3A_238, %broadcast_in_dim3A_240 : vector<16xi1>, vector<16xf32>
      %max3A_242 = arith.constant 1.000000e-30 : f32
      %max3A_243 = vector.broadcast %max3A_242 : f32 to vector<16xf32>
      %max3A_244 = arith.maximumf %select_n3A_241, %max3A_243 : vector<16xf32>
      %bitcast_convert_type3A = tpu.bitcast %max3A_244 : vector<16xf32> -> vector<16xi32>
      %shift_right_logical3A = arith.constant 1 : i32
      %shift_right_logical3A_245 = vector.broadcast %shift_right_logical3A : i32 to vector<16xi32>
      %shift_right_logical3A_246 = arith.shrui %bitcast_convert_type3A, %shift_right_logical3A_245 : vector<16xi32>
      %sub3A_247 = arith.constant 1597463007 : i32
      %sub3A_248 = vector.broadcast %sub3A_247 : i32 to vector<16xi32>
      %sub3A_249 = arith.subi %sub3A_248, %shift_right_logical3A_246 : vector<16xi32>
      %bitcast_convert_type3A_250 = tpu.bitcast %sub3A_249 : vector<16xi32> -> vector<16xf32>
      %mul3A_251 = arith.constant 5.000000e-01 : f32
      %mul3A_252 = vector.broadcast %mul3A_251 : f32 to vector<16xf32>
      %mul3A_253 = arith.mulf %mul3A_252, %max3A_244 : vector<16xf32>
      %mul3A_254 = arith.mulf %mul3A_253, %bitcast_convert_type3A_250 : vector<16xf32>
      %mul3A_255 = arith.mulf %mul3A_254, %bitcast_convert_type3A_250 : vector<16xf32>
      %sub3A_256 = arith.constant 1.500000e+00 : f32
      %sub3A_257 = vector.broadcast %sub3A_256 : f32 to vector<16xf32>
      %sub3A_258 = arith.subf %sub3A_257, %mul3A_255 : vector<16xf32>
      %mul3A_259 = arith.mulf %bitcast_convert_type3A_250, %sub3A_258 : vector<16xf32>
      %mul3A_260 = arith.constant 5.000000e-01 : f32
      %mul3A_261 = vector.broadcast %mul3A_260 : f32 to vector<16xf32>
      %mul3A_262 = arith.mulf %mul3A_261, %max3A_244 : vector<16xf32>
      %mul3A_263 = arith.mulf %mul3A_262, %mul3A_259 : vector<16xf32>
      %mul3A_264 = arith.mulf %mul3A_263, %mul3A_259 : vector<16xf32>
      %sub3A_265 = arith.constant 1.500000e+00 : f32
      %sub3A_266 = vector.broadcast %sub3A_265 : f32 to vector<16xf32>
      %sub3A_267 = arith.subf %sub3A_266, %mul3A_264 : vector<16xf32>
      %mul3A_268 = arith.mulf %mul3A_259, %sub3A_267 : vector<16xf32>
      %mul3A_269 = arith.constant 5.000000e-01 : f32
      %mul3A_270 = vector.broadcast %mul3A_269 : f32 to vector<16xf32>
      %mul3A_271 = arith.mulf %mul3A_270, %max3A_244 : vector<16xf32>
      %mul3A_272 = arith.mulf %mul3A_271, %mul3A_268 : vector<16xf32>
      %mul3A_273 = arith.mulf %mul3A_272, %mul3A_268 : vector<16xf32>
      %sub3A_274 = arith.constant 1.500000e+00 : f32
      %sub3A_275 = vector.broadcast %sub3A_274 : f32 to vector<16xf32>
      %sub3A_276 = arith.subf %sub3A_275, %mul3A_273 : vector<16xf32>
      %mul3A_277 = arith.mulf %mul3A_268, %sub3A_276 : vector<16xf32>
      %mul3A_278 = arith.mulf %max3A_244, %mul3A_277 : vector<16xf32>
      %div3A_279 = arith.divf %max3A_244, %mul3A_278 : vector<16xf32>
      %add3A_280 = arith.addf %mul3A_278, %div3A_279 : vector<16xf32>
      %mul3A_281 = arith.constant 5.000000e-01 : f32
      %mul3A_282 = vector.broadcast %mul3A_281 : f32 to vector<16xf32>
      %mul3A_283 = arith.mulf %mul3A_282, %add3A_280 : vector<16xf32>
      %jit3A_284 = arith.constant 0.000000e+00 : f32
      %broadcast_in_dim3A_285 = vector.broadcast %jit3A_284 : f32 to vector<16xf32>
      %select_n3A_286 = arith.select %lt3A_204, %gather3A_226, %broadcast_in_dim3A_285 : vector<16xi1>, vector<16xf32>
      %swap3A = arith.index_cast %mul3A_165 : i32 to index
      %swap3A_287 = tpu.vector_load %arg17[%swap3A] {strides = array<i32>} : memref<8256xf32, #tpu.memory_space<vmem>>, vector<16xf32>,
      tpu.vector_store %arg17[%swap3A], %select_n3A_286 {strides = array<i32>} : memref<8256xf32, #tpu.memory_space<vmem>>, vector<16xf32>,
      %jit3A_288 = arith.constant -1.000000e+00 : f32
      %broadcast_in_dim3A_289 = vector.broadcast %jit3A_288 : f32 to vector<16xf32>
      %select_n3A_290 = arith.select %lt3A_204, %mul3A_283, %broadcast_in_dim3A_289 : vector<16xi1>, vector<16xf32>
      %add3A_291 = arith.constant 1376 : i32
      %add3A_292 = arith.addi %add3A_291, %mul3A_165 : i32
      %swap3A_293 = arith.index_cast %add3A_292 : i32 to index
      %swap3A_294 = tpu.vector_load %arg17[%swap3A_293] {strides = array<i32>} : memref<8256xf32, #tpu.memory_space<vmem>>, vector<16xf32>,
      tpu.vector_store %arg17[%swap3A_293], %select_n3A_290 {strides = array<i32>} : memref<8256xf32, #tpu.memory_space<vmem>>, vector<16xf32>,
      %jit3A_295 = arith.constant -1.000000e+00 : f32
      %broadcast_in_dim3A_296 = vector.broadcast %jit3A_295 : f32 to vector<16xf32>
      %select_n3A_297 = arith.select %lt3A_204, %sub3A_227, %broadcast_in_dim3A_296 : vector<16xi1>, vector<16xf32>
      %add3A_298 = arith.constant 2752 : i32
      %add3A_299 = arith.addi %add3A_298, %mul3A_165 : i32
      %swap3A_300 = arith.index_cast %add3A_299 : i32 to index
      %swap3A_301 = tpu.vector_load %arg17[%swap3A_300] {strides = array<i32>} : memref<8256xf32, #tpu.memory_space<vmem>>, vector<16xf32>,
      tpu.vector_store %arg17[%swap3A_300], %select_n3A_297 {strides = array<i32>} : memref<8256xf32, #tpu.memory_space<vmem>>, vector<16xf32>,
      %jit3A_302 = arith.constant -1.000000e+00 : f32
      %broadcast_in_dim3A_303 = vector.broadcast %jit3A_302 : f32 to vector<16xf32>
      %select_n3A_304 = arith.select %lt3A_204, %sub3A_228, %broadcast_in_dim3A_303 : vector<16xi1>, vector<16xf32>
      %add3A_305 = arith.constant 4128 : i32
      %add3A_306 = arith.addi %add3A_305, %mul3A_165 : i32
      %swap3A_307 = arith.index_cast %add3A_306 : i32 to index
      %swap3A_308 = tpu.vector_load %arg17[%swap3A_307] {strides = array<i32>} : memref<8256xf32, #tpu.memory_space<vmem>>, vector<16xf32>,
      tpu.vector_store %arg17[%swap3A_307], %select_n3A_304 {strides = array<i32>} : memref<8256xf32, #tpu.memory_space<vmem>>, vector<16xf32>,
      %jit3A_309 = arith.constant -1.000000e+00 : f32
      %broadcast_in_dim3A_310 = vector.broadcast %jit3A_309 : f32 to vector<16xf32>
      %select_n3A_311 = arith.select %lt3A_204, %sub3A_229, %broadcast_in_dim3A_310 : vector<16xi1>, vector<16xf32>
      %add3A_312 = arith.constant 5504 : i32
      %add3A_313 = arith.addi %add3A_312, %mul3A_165 : i32
      %swap3A_314 = arith.index_cast %add3A_313 : i32 to index
      %swap3A_315 = tpu.vector_load %arg17[%swap3A_314] {strides = array<i32>} : memref<8256xf32, #tpu.memory_space<vmem>>, vector<16xf32>,
      tpu.vector_store %arg17[%swap3A_314], %select_n3A_311 {strides = array<i32>} : memref<8256xf32, #tpu.memory_space<vmem>>, vector<16xf32>,
      %jit3A_316 = arith.constant -1.000000e+00 : f32
      %broadcast_in_dim3A_317 = vector.broadcast %jit3A_316 : f32 to vector<16xf32>
      %select_n3A_318 = arith.select %lt3A_204, %sub3A_230, %broadcast_in_dim3A_317 : vector<16xi1>, vector<16xf32>
      %add3A_319 = arith.constant 6880 : i32
      %add3A_320 = arith.addi %add3A_319, %mul3A_165 : i32
      %swap3A_321 = arith.index_cast %add3A_320 : i32 to index
      %swap3A_322 = tpu.vector_load %arg17[%swap3A_321] {strides = array<i32>} : memref<8256xf32, #tpu.memory_space<vmem>>, vector<16xf32>,
      tpu.vector_store %arg17[%swap3A_321], %select_n3A_318 {strides = array<i32>} : memref<8256xf32, #tpu.memory_space<vmem>>, vector<16xf32>,
    }
    %scan3A_159 = arith.constant 86 : i32
    %mul3A_160 = arith.constant 5504 : i32
    %mul3A_161 = arith.muli %add3A_9, %mul3A_160 : i32
    %add3A_162 = arith.addi %mul3A_161, %mul3A_53 : i32
    "tpu.region"() ({
      %run_scoped3A = tpu.sem_alloc : memref<!tpu.dma_semaphore, #tpu.memory_space<semaphore_mem>>
      %dma_start3A = arith.constant 0 : i32
      %dma_start3A_163 = tpu.memref_slice %arg17[%dma_start3A] : memref<8256xf32, #tpu.memory_space<vmem>> -> memref<1376xf32, #tpu.memory_space<vmem>>
      %dma_start3A_164 = tpu.memref_slice %arg5[%add3A_162] : memref<44032xf32, #tpu.memory_space<hbm>> -> memref<1376xf32, #tpu.memory_space<hbm>>
      %dma_start3A_165 = tpu.memref_slice %arg5[%add3A_162] : memref<44032xf32, #tpu.memory_space<hbm>> -> memref<1376xf32, #tpu.memory_space<hbm>>
      %dma_start3A_166 = arith.constant 0 : i32
      %dma_start3A_167 = tpu.memref_slice %arg17[%dma_start3A_166] : memref<8256xf32, #tpu.memory_space<vmem>> -> memref<1376xf32, #tpu.memory_space<vmem>>
      tpu.enqueue_dma source(%dma_start3A_167 : memref<1376xf32, #tpu.memory_space<vmem>>) target(%dma_start3A_165 : memref<1376xf32, #tpu.memory_space<hbm>>) target_semaphore(%run_scoped3A : memref<!tpu.dma_semaphore, #tpu.memory_space<semaphore_mem>>)
      %dma_wait3A = arith.constant 0 : i32
      %dma_wait3A_168 = tpu.memref_slice %arg17[%dma_wait3A] : memref<8256xf32, #tpu.memory_space<vmem>> -> memref<1376xf32, #tpu.memory_space<vmem>>
      %dma_wait3A_169 = tpu.memref_slice %arg5[%add3A_162] : memref<44032xf32, #tpu.memory_space<hbm>> -> memref<1376xf32, #tpu.memory_space<hbm>>
      %dma_wait3A_170 = tpu.memref_slice %arg5[%add3A_162] : memref<44032xf32, #tpu.memory_space<hbm>> -> memref<1376xf32, #tpu.memory_space<hbm>>
      %dma_wait3A_171 = arith.constant 0 : i32
      %dma_wait3A_172 = tpu.memref_slice %arg17[%dma_wait3A_171] : memref<8256xf32, #tpu.memory_space<vmem>> -> memref<1376xf32, #tpu.memory_space<vmem>>
      tpu.wait_dma2 semaphore(%run_scoped3A : memref<!tpu.dma_semaphore, #tpu.memory_space<semaphore_mem>>) src(%dma_wait3A_172 : memref<1376xf32, #tpu.memory_space<vmem>>) dst(%dma_wait3A_170 : memref<1376xf32, #tpu.memory_space<hbm>>)
      tpu.yield
    }) : () -> ()
    "tpu.region"() ({
      %run_scoped3A = tpu.sem_alloc : memref<!tpu.dma_semaphore, #tpu.memory_space<semaphore_mem>>
      %dma_start3A = arith.constant 1376 : i32
      %dma_start3A_163 = tpu.memref_slice %arg17[%dma_start3A] : memref<8256xf32, #tpu.memory_space<vmem>> -> memref<1376xf32, #tpu.memory_space<vmem>>
      %dma_start3A_164 = tpu.memref_slice %arg6[%add3A_162] : memref<44032xf32, #tpu.memory_space<hbm>> -> memref<1376xf32, #tpu.memory_space<hbm>>
      %dma_start3A_165 = tpu.memref_slice %arg6[%add3A_162] : memref<44032xf32, #tpu.memory_space<hbm>> -> memref<1376xf32, #tpu.memory_space<hbm>>
      %dma_start3A_166 = arith.constant 1376 : i32
      %dma_start3A_167 = tpu.memref_slice %arg17[%dma_start3A_166] : memref<8256xf32, #tpu.memory_space<vmem>> -> memref<1376xf32, #tpu.memory_space<vmem>>
      tpu.enqueue_dma source(%dma_start3A_167 : memref<1376xf32, #tpu.memory_space<vmem>>) target(%dma_start3A_165 : memref<1376xf32, #tpu.memory_space<hbm>>) target_semaphore(%run_scoped3A : memref<!tpu.dma_semaphore, #tpu.memory_space<semaphore_mem>>)
      %dma_wait3A = arith.constant 1376 : i32
      %dma_wait3A_168 = tpu.memref_slice %arg17[%dma_wait3A] : memref<8256xf32, #tpu.memory_space<vmem>> -> memref<1376xf32, #tpu.memory_space<vmem>>
      %dma_wait3A_169 = tpu.memref_slice %arg6[%add3A_162] : memref<44032xf32, #tpu.memory_space<hbm>> -> memref<1376xf32, #tpu.memory_space<hbm>>
      %dma_wait3A_170 = tpu.memref_slice %arg6[%add3A_162] : memref<44032xf32, #tpu.memory_space<hbm>> -> memref<1376xf32, #tpu.memory_space<hbm>>
      %dma_wait3A_171 = arith.constant 1376 : i32
      %dma_wait3A_172 = tpu.memref_slice %arg17[%dma_wait3A_171] : memref<8256xf32, #tpu.memory_space<vmem>> -> memref<1376xf32, #tpu.memory_space<vmem>>
      tpu.wait_dma2 semaphore(%run_scoped3A : memref<!tpu.dma_semaphore, #tpu.memory_space<semaphore_mem>>) src(%dma_wait3A_172 : memref<1376xf32, #tpu.memory_space<vmem>>) dst(%dma_wait3A_170 : memref<1376xf32, #tpu.memory_space<hbm>>)
      tpu.yield
    }) : () -> ()
    "tpu.region"() ({
      %run_scoped3A = tpu.sem_alloc : memref<!tpu.dma_semaphore, #tpu.memory_space<semaphore_mem>>
      %dma_start3A = arith.constant 2752 : i32
      %dma_start3A_163 = tpu.memref_slice %arg17[%dma_start3A] : memref<8256xf32, #tpu.memory_space<vmem>> -> memref<1376xf32, #tpu.memory_space<vmem>>
      %dma_start3A_164 = tpu.memref_slice %arg7[%add3A_162] : memref<44032xf32, #tpu.memory_space<hbm>> -> memref<1376xf32, #tpu.memory_space<hbm>>
      %dma_start3A_165 = tpu.memref_slice %arg7[%add3A_162] : memref<44032xf32, #tpu.memory_space<hbm>> -> memref<1376xf32, #tpu.memory_space<hbm>>
      %dma_start3A_166 = arith.constant 2752 : i32
      %dma_start3A_167 = tpu.memref_slice %arg17[%dma_start3A_166] : memref<8256xf32, #tpu.memory_space<vmem>> -> memref<1376xf32, #tpu.memory_space<vmem>>
      tpu.enqueue_dma source(%dma_start3A_167 : memref<1376xf32, #tpu.memory_space<vmem>>) target(%dma_start3A_165 : memref<1376xf32, #tpu.memory_space<hbm>>) target_semaphore(%run_scoped3A : memref<!tpu.dma_semaphore, #tpu.memory_space<semaphore_mem>>)
      %dma_wait3A = arith.constant 2752 : i32
      %dma_wait3A_168 = tpu.memref_slice %arg17[%dma_wait3A] : memref<8256xf32, #tpu.memory_space<vmem>> -> memref<1376xf32, #tpu.memory_space<vmem>>
      %dma_wait3A_169 = tpu.memref_slice %arg7[%add3A_162] : memref<44032xf32, #tpu.memory_space<hbm>> -> memref<1376xf32, #tpu.memory_space<hbm>>
      %dma_wait3A_170 = tpu.memref_slice %arg7[%add3A_162] : memref<44032xf32, #tpu.memory_space<hbm>> -> memref<1376xf32, #tpu.memory_space<hbm>>
      %dma_wait3A_171 = arith.constant 2752 : i32
      %dma_wait3A_172 = tpu.memref_slice %arg17[%dma_wait3A_171] : memref<8256xf32, #tpu.memory_space<vmem>> -> memref<1376xf32, #tpu.memory_space<vmem>>
      tpu.wait_dma2 semaphore(%run_scoped3A : memref<!tpu.dma_semaphore, #tpu.memory_space<semaphore_mem>>) src(%dma_wait3A_172 : memref<1376xf32, #tpu.memory_space<vmem>>) dst(%dma_wait3A_170 : memref<1376xf32, #tpu.memory_space<hbm>>)
      tpu.yield
    }) : () -> ()
    "tpu.region"() ({
      %run_scoped3A = tpu.sem_alloc : memref<!tpu.dma_semaphore, #tpu.memory_space<semaphore_mem>>
      %dma_start3A = arith.constant 4128 : i32
      %dma_start3A_163 = tpu.memref_slice %arg17[%dma_start3A] : memref<8256xf32, #tpu.memory_space<vmem>> -> memref<1376xf32, #tpu.memory_space<vmem>>
      %dma_start3A_164 = tpu.memref_slice %arg8[%add3A_162] : memref<44032xf32, #tpu.memory_space<hbm>> -> memref<1376xf32, #tpu.memory_space<hbm>>
      %dma_start3A_165 = tpu.memref_slice %arg8[%add3A_162] : memref<44032xf32, #tpu.memory_space<hbm>> -> memref<1376xf32, #tpu.memory_space<hbm>>
      %dma_start3A_166 = arith.constant 4128 : i32
      %dma_start3A_167 = tpu.memref_slice %arg17[%dma_start3A_166] : memref<8256xf32, #tpu.memory_space<vmem>> -> memref<1376xf32, #tpu.memory_space<vmem>>
      tpu.enqueue_dma source(%dma_start3A_167 : memref<1376xf32, #tpu.memory_space<vmem>>) target(%dma_start3A_165 : memref<1376xf32, #tpu.memory_space<hbm>>) target_semaphore(%run_scoped3A : memref<!tpu.dma_semaphore, #tpu.memory_space<semaphore_mem>>)
      %dma_wait3A = arith.constant 4128 : i32
      %dma_wait3A_168 = tpu.memref_slice %arg17[%dma_wait3A] : memref<8256xf32, #tpu.memory_space<vmem>> -> memref<1376xf32, #tpu.memory_space<vmem>>
      %dma_wait3A_169 = tpu.memref_slice %arg8[%add3A_162] : memref<44032xf32, #tpu.memory_space<hbm>> -> memref<1376xf32, #tpu.memory_space<hbm>>
      %dma_wait3A_170 = tpu.memref_slice %arg8[%add3A_162] : memref<44032xf32, #tpu.memory_space<hbm>> -> memref<1376xf32, #tpu.memory_space<hbm>>
      %dma_wait3A_171 = arith.constant 4128 : i32
      %dma_wait3A_172 = tpu.memref_slice %arg17[%dma_wait3A_171] : memref<8256xf32, #tpu.memory_space<vmem>> -> memref<1376xf32, #tpu.memory_space<vmem>>
      tpu.wait_dma2 semaphore(%run_scoped3A : memref<!tpu.dma_semaphore, #tpu.memory_space<semaphore_mem>>) src(%dma_wait3A_172 : memref<1376xf32, #tpu.memory_space<vmem>>) dst(%dma_wait3A_170 : memref<1376xf32, #tpu.memory_space<hbm>>)
      tpu.yield
    }) : () -> ()
    "tpu.region"() ({
      %run_scoped3A = tpu.sem_alloc : memref<!tpu.dma_semaphore, #tpu.memory_space<semaphore_mem>>
      %dma_start3A = arith.constant 5504 : i32
      %dma_start3A_163 = tpu.memref_slice %arg17[%dma_start3A] : memref<8256xf32, #tpu.memory_space<vmem>> -> memref<1376xf32, #tpu.memory_space<vmem>>
      %dma_start3A_164 = tpu.memref_slice %arg9[%add3A_162] : memref<44032xf32, #tpu.memory_space<hbm>> -> memref<1376xf32, #tpu.memory_space<hbm>>
      %dma_start3A_165 = tpu.memref_slice %arg9[%add3A_162] : memref<44032xf32, #tpu.memory_space<hbm>> -> memref<1376xf32, #tpu.memory_space<hbm>>
      %dma_start3A_166 = arith.constant 5504 : i32
      %dma_start3A_167 = tpu.memref_slice %arg17[%dma_start3A_166] : memref<8256xf32, #tpu.memory_space<vmem>> -> memref<1376xf32, #tpu.memory_space<vmem>>
      tpu.enqueue_dma source(%dma_start3A_167 : memref<1376xf32, #tpu.memory_space<vmem>>) target(%dma_start3A_165 : memref<1376xf32, #tpu.memory_space<hbm>>) target_semaphore(%run_scoped3A : memref<!tpu.dma_semaphore, #tpu.memory_space<semaphore_mem>>)
      %dma_wait3A = arith.constant 5504 : i32
      %dma_wait3A_168 = tpu.memref_slice %arg17[%dma_wait3A] : memref<8256xf32, #tpu.memory_space<vmem>> -> memref<1376xf32, #tpu.memory_space<vmem>>
      %dma_wait3A_169 = tpu.memref_slice %arg9[%add3A_162] : memref<44032xf32, #tpu.memory_space<hbm>> -> memref<1376xf32, #tpu.memory_space<hbm>>
      %dma_wait3A_170 = tpu.memref_slice %arg9[%add3A_162] : memref<44032xf32, #tpu.memory_space<hbm>> -> memref<1376xf32, #tpu.memory_space<hbm>>
      %dma_wait3A_171 = arith.constant 5504 : i32
      %dma_wait3A_172 = tpu.memref_slice %arg17[%dma_wait3A_171] : memref<8256xf32, #tpu.memory_space<vmem>> -> memref<1376xf32, #tpu.memory_space<vmem>>
      tpu.wait_dma2 semaphore(%run_scoped3A : memref<!tpu.dma_semaphore, #tpu.memory_space<semaphore_mem>>) src(%dma_wait3A_172 : memref<1376xf32, #tpu.memory_space<vmem>>) dst(%dma_wait3A_170 : memref<1376xf32, #tpu.memory_space<hbm>>)
      tpu.yield
    }) : () -> ()
    "tpu.region"() ({
      %run_scoped3A = tpu.sem_alloc : memref<!tpu.dma_semaphore, #tpu.memory_space<semaphore_mem>>
      %dma_start3A = arith.constant 6880 : i32
      %dma_start3A_163 = tpu.memref_slice %arg17[%dma_start3A] : memref<8256xf32, #tpu.memory_space<vmem>> -> memref<1376xf32, #tpu.memory_space<vmem>>
      %dma_start3A_164 = tpu.memref_slice %arg10[%add3A_162] : memref<44032xf32, #tpu.memory_space<hbm>> -> memref<1376xf32, #tpu.memory_space<hbm>>
      %dma_start3A_165 = tpu.memref_slice %arg10[%add3A_162] : memref<44032xf32, #tpu.memory_space<hbm>> -> memref<1376xf32, #tpu.memory_space<hbm>>
      %dma_start3A_166 = arith.constant 6880 : i32
      %dma_start3A_167 = tpu.memref_slice %arg17[%dma_start3A_166] : memref<8256xf32, #tpu.memory_space<vmem>> -> memref<1376xf32, #tpu.memory_space<vmem>>
      tpu.enqueue_dma source(%dma_start3A_167 : memref<1376xf32, #tpu.memory_space<vmem>>) target(%dma_start3A_165 : memref<1376xf32, #tpu.memory_space<hbm>>) target_semaphore(%run_scoped3A : memref<!tpu.dma_semaphore, #tpu.memory_space<semaphore_mem>>)
      %dma_wait3A = arith.constant 6880 : i32
      %dma_wait3A_168 = tpu.memref_slice %arg17[%dma_wait3A] : memref<8256xf32, #tpu.memory_space<vmem>> -> memref<1376xf32, #tpu.memory_space<vmem>>
      %dma_wait3A_169 = tpu.memref_slice %arg10[%add3A_162] : memref<44032xf32, #tpu.memory_space<hbm>> -> memref<1376xf32, #tpu.memory_space<hbm>>
      %dma_wait3A_170 = tpu.memref_slice %arg10[%add3A_162] : memref<44032xf32, #tpu.memory_space<hbm>> -> memref<1376xf32, #tpu.memory_space<hbm>>
      %dma_wait3A_171 = arith.constant 6880 : i32
      %dma_wait3A_172 = tpu.memref_slice %arg17[%dma_wait3A_171] : memref<8256xf32, #tpu.memory_space<vmem>> -> memref<1376xf32, #tpu.memory_space<vmem>>
      tpu.wait_dma2 semaphore(%run_scoped3A : memref<!tpu.dma_semaphore, #tpu.memory_space<semaphore_mem>>) src(%dma_wait3A_172 : memref<1376xf32, #tpu.memory_space<vmem>>) dst(%dma_wait3A_170 : memref<1376xf32, #tpu.memory_space<hbm>>)
      tpu.yield
    }) : () -> ()
    return
  }
}

</mosaic_0001>

<sc_bundles>
// kernel: _gen_targets_sc.3.cloned.1.call-start
scs
__scs_entry_jumppad:
0x0: {  	(pc) =	sbr.rel $0x88, $3  }
0x1: {  	(tag) =	ssettag $0x0;
	lr =	simm.s32 $0x1  }
0x2: {  	[smem:$0x3F9F] =	sst lr;
	_ =	strace $0xD0000000  }
0x3: {  	_ = 	snop  }
0x4: {  	_ = 	snop  }
0x5: {  	_ = 	snop  }
0x6: {  	_ = 	snop  }
0x7: {  	_ = 	snop  }
__scs_overlays_trampoline_lowered:
0x8: {  	[smem:$0x3FAE] =	sst s0  }
0x9: {  	[smem:$0x3FAF] =	sst s1  }
0xa: {  	[smem:$0x3FB0] =	sst s2  }
0xb: {  	[smem:$0x3FB1] =	sst s3  }
0xc: {  	[smem:$0x3FB2] =	sst s4  }
0xd: {  	[smem:$0x3FB3] =	sst s5  }
0xe: {  	[smem:$0x3FB4] =	sst s6  }
0xf: {  	[smem:$0x3FB5] =	sst s7  }
0x10: {  	[smem:$0x3FB6] =	sst s8  }
0x11: {  	[smem:$0x3FB7] =	sst s9;
	s0 =	simm.s32 @!p0 $0x0  }
0x12: {  	s1 =	sld [smem:$0x3F9D];
	s0 =	simm.s32 @p0 $0x1  }
0x13: {  	[smem:$0x3FB8] =	sst s0;
	s0 =	simm.s32 @!p1 $0x0  }
0x14: {  	s2 =	sld [smem:$0x3F9C];
	s0 =	simm.s32 @p1 $0x1  }
0x15: {  	[smem:$0x3FB9] =	sst s0;
	s0 =	simm.s32 @!p2 $0x0  }
0x16: {  	s3 =	sld [smem:$0x3FDB];
	s0 =	simm.s32 @p2 $0x1  }
0x17: {  	s4 =	simm.s32 $0x1BF5;
	[smem:$0x3FBB] =	sst s0  }
0x18: {  	s0 =	sld [smem:$0x3F9E];
	_ =	swait.ge [sflag:s4], $0x0  }
0x19: {  	s7 =	sld [smem:$0x3F9F]  }
0x1a: {  	s8 =	sadd.s32 $0xFFFFE003, lr  }
0x1b: {  	s9 =	sadd.s32 $0xFFFFFEF7, lr;
	s5 =	simm.s32 $0xFFFFFFFF;
	p2 =	slt.u32 s8, $0xFFFFF086  }
0x1c: {  	p1 =	slt.u32 s9, $0xF7A;
	s5 =	simm.s32 @!p2 $0x0  }
0x1d: {  	s5 =	simm.s32 @p1 $0x1;
	p0 =	seq.s32 s7, s2  }
0x1e: {  	s7 =	smul.u32 @!p0 $0xF7A, s2;
	p2 =	seq.s32 @!p0 s5, $0x0  }
0x1f: {  	s9 =	smul.u32 $0xF7A, s1;
	s8 =	simm.s32 @!p0 $0x1BF5;
	p2 =	por !p2, p0  }
0x20: {  	[sflag:s8] =	ssyncset.s32 @!p0 $0xFFFFF086;
	s6 =	sadd.s32 @!p0 s3, s7;
	s7 =	simm.s32 @!p0 $0x108  }
0x21: {  	s3 =	sadd.s32 s3, s9;
	s6 =	sadd.s32 @!p0 $0x88, s6;
	s7 =	simm.s32 @p2 $0x1082  }
0x22: {  	[simem:s7], [sflag:s8] =	dma.local @!p0 [hbm:s6], $0xF7A  }
0x23: {  	s9 =	sor.u32 $0xD0000000, s2;
	s6 =	simm.s32 $0x108;
	_ =	swait.ge @!p0 [sflag:s8], $0x0  }
0x24: {  	s3 =	sadd.s32 $0x88, s3;
	s6 =	simm.s32 @!p1 $0x1082;
	[sflag:s4] =	ssyncset.s32 $0xFFFFF086  }
0x25: {  	[simem:s6], [sflag:s4] =	dma.local [hbm:s3], $0xF7A  }
0x26: {  	[smem:$0x3F9F] =	sst s1;
	(tag) =	ssettag s2;
	_ =	strace s9  }
0x27: {  	s1 =	sld [smem:$0x3FAF]  }
0x28: {  	s2 =	sld [smem:$0x3FB0]  }
0x29: {  	s4 =	sld [smem:$0x3FB2]  }
0x2a: {  	p0 =	seq.s32 s5, $0x0;
	s5 =	sld [smem:$0x3FB3]  }
0x2b: {  	s6 =	sld [smem:$0x3FB4]  }
0x2c: {  	s7 =	sld [smem:$0x3FB5]  }
0x2d: {  	s3 =	simm.s32 $0x108;
	s8 =	sld [smem:$0x3FB6]  }
0x2e: {  	s3 =	simm.s32 @!p0 $0x1082;
	s9 =	sld [smem:$0x3FB7]  }
0x2f: {  	lr =	sadd.s32 s0, s3;
	s0 =	sld [smem:$0x3FAE]  }
0x30: {  	s3 =	sld [smem:$0x3FB1]  }
0x31: {  	[smem:$0x3FBA] =	sst s10  }
0x32: {  	s10 =	sld [smem:$0x3FB8];
	_ =	sdelay $0x3  }
0x33: {  	p0 =	seq.s32 s10, $0x1;
	s10 =	sld [smem:$0x3FBA];
	_ =	sdelay $0x3  }
0x34: {  	[smem:$0x3FBA] =	sst s10  }
0x35: {  	s10 =	sld [smem:$0x3FB9];
	_ =	sdelay $0x3  }
0x36: {  	p1 =	seq.s32 s10, $0x1;
	s10 =	sld [smem:$0x3FBA];
	_ =	sdelay $0x3  }
0x37: {  	[smem:$0x3FBA] =	sst s10  }
0x38: {  	s10 =	sld [smem:$0x3FBB]  }
0x39: {  	_ = 	snop;
	(pc) =	sbr.ind lr, $3  }
0x3a: {  	_ = 	snop  }
0x3b: {  	_ = 	snop  }
0x3c: {  	p2 =	seq.s32 s10, $0x1;
	s10 =	sld [smem:$0x3FBA]  }
0x3d: {  	_ =	shalt  }
0x3e: {  	_ =	shalt  }
0x3f: {  	_ =	shalt  }
0x40: {  	_ =	shalt  }
0x41: {  	_ =	shalt  }
0x42: {  	_ =	shalt  }
0x43: {  	_ =	shalt  }
0x44: {  	_ =	shalt  }
0x45: {  	_ =	shalt  }
0x46: {  	_ =	shalt  }
0x47: {  	_ =	shalt  }
0x48: {  	_ =	shalt  }
0x49: {  	_ =	shalt  }
0x4a: {  	_ =	shalt  }
0x4b: {  	_ =	shalt  }
0x4c: {  	_ =	shalt  }
0x4d: {  	_ =	shalt  }
0x4e: {  	_ =	shalt  }
0x4f: {  	_ =	shalt  }
0x50: {  	_ =	shalt  }
0x51: {  	_ =	shalt  }
0x52: {  	_ =	shalt  }
0x53: {  	_ =	shalt  }
0x54: {  	_ =	shalt  }
0x55: {  	_ =	shalt  }
0x56: {  	_ =	shalt  }
0x57: {  	_ =	shalt  }
0x58: {  	_ =	shalt  }
0x59: {  	_ =	shalt  }
0x5a: {  	_ =	shalt  }
0x5b: {  	_ =	shalt  }
0x5c: {  	_ =	shalt  }
0x5d: {  	_ =	shalt  }
0x5e: {  	_ =	shalt  }
0x5f: {  	_ =	shalt  }
0x60: {  	_ =	shalt  }
0x61: {  	_ =	shalt  }
0x62: {  	_ =	shalt  }
0x63: {  	_ =	shalt  }
0x64: {  	_ =	shalt  }
0x65: {  	_ =	shalt  }
0x66: {  	_ =	shalt  }
0x67: {  	_ =	shalt  }
0x68: {  	_ =	shalt  }
0x69: {  	_ =	shalt  }
0x6a: {  	_ =	shalt  }
0x6b: {  	_ =	shalt  }
0x6c: {  	_ =	shalt  }
0x6d: {  	_ =	shalt  }
0x6e: {  	_ =	shalt  }
0x6f: {  	_ =	shalt  }
0x70: {  	_ =	shalt  }
0x71: {  	_ =	shalt  }
0x72: {  	_ =	shalt  }
0x73: {  	_ =	shalt  }
0x74: {  	_ =	shalt  }
0x75: {  	_ =	shalt  }
0x76: {  	_ =	shalt  }
0x77: {  	_ =	shalt  }
0x78: {  	_ =	shalt  }
0x79: {  	_ =	shalt  }
0x7a: {  	_ =	shalt  }
0x7b: {  	_ =	shalt  }
0x7c: {  	_ =	shalt  }
0x7d: {  	_ =	shalt  }
0x7e: {  	_ =	shalt  }
0x7f: {  	_ =	shalt  }
0x80: {  	_ =	shalt  }
0x81: {  	_ =	shalt  }
0x82: {  	_ =	shalt  }
0x83: {  	_ =	shalt  }
0x84: {  	_ =	shalt  }
0x85: {  	_ =	shalt  }
0x86: {  	_ =	shalt  }
0x87: {  	_ =	shalt  }
.Lfunc_end0:
.L_simem_size_0:
called_computation_lowered:
.L_overlay_start_0:
0x88: {  	s2 =	sld [smem:$0x3FD9]  }
0x89: {  	s3 =	sld [smem:$0x3FFE];
	_ =	sdelay $0x1  }
0x8a: {  	s1 =	srdreg.scid  }
0x8b: {  	s0 =	sand.u32 $0x1, s1  }
0x8c: {  	s14 =	sshll.u32 s0, $0xA;
	s2 =	sadd.s32 s3, s2  }
0x8d: {  	s2 =	sadd.s32 s2, s14  }
0x8e: {  	[smem:$0x3FC6] =	sst s2  }
0x8f: {  	_ = 	snop  }
0x90: {  	s2 =	sld [smem:$0x3FD0];
	_ =	sdelay $0x2  }
0x91: {  	s15 =	simm.s32 $0xA;
	s4 =	simm.s32 $0x10  }
0x92: {  	[smem:s4], [sflag:s15] =	dma.local [hbm:s2], $0x1  }
0x93: {  	_ =	swait.eq [sflag:s15], $0x1  }
0x94: {  	s16 =	sld [smem:$0x10];
	[sflag:s15] =	ssyncset.done $0x0  }
0x95: {  	s17 =	sld [smem:$0x11];
	[sflag:s15] =	ssyncadd.s32 $0xFFFFFFFF  }
0x96: {  	s18 =	sld [smem:$0x12];
	(tm) =	ssettm $0x1  }
0x97: {  	s5 =	sld [smem:$0x3FFB];
	_ =	sdelay $0x3  }
0x98: {  	_ =	strace s5  }
0x99: {  	s5 =	sld [smem:$0x3FFC];
	_ =	sdelay $0x3  }
0x9a: {  	_ =	strace s5  }
0x9b: {  	s5 =	sld [smem:$0x3FFD];
	_ =	sdelay $0x3  }
0x9c: {  	_ =	strace s5  }
0x9d: {  	_ =	strace $0x8FFFFFFF  }
0x9e: {  	s19 =	sld [smem:$0x3FDB];
	_ =	sdelay $0x1  }
0x9f: {  	s6 =	simm.s32 $_scs_section_size  }
0xa0: {  	s7 =	simm.s32 $_size__tile_overlayer_lowered;
	s8 =	simm.s32 $_tile_overlayer_lowered  }
0xa1: {  	s22 =	simm.s32 $0x1BFF;
	s21 =	sshll.u32 s8, $0x1;
	s5 =	sadd.s32 s6, s19  }
0xa2: {  	s9 =	simm.s32 $0x0;
	s20 =	sshll.u32 s7, $0x1;
	s7 =	sadd.s32 s21, s5  }
0xa3: {  	[timem:s9], [sflag:s22] =	dma.local [hbm:s7], s20  }
0xa4: {  	_ =	swait.ge [sflag:s22], s20  }
0xa5: {  	s6 =	ssub.s32 $0x0, s20;
	[sflag:s22] =	ssyncset.done $0x0  }
0xa6: {  	[sflag:s22] =	ssyncadd.s32 s6;
	_ =	sdelay $0x1  }
0xa7: {  	s23 =	simm.s32 $0x1B8B  }
0xa8: {  	_ =	swait.ge [sflag:s23], $0x1  }
0xa9: {  	[sflag:s23] =	ssyncset.done $0x0  }
0xaa: {  	s25 =	simm.s32 $0x1B8E;
	s24 =	sld [smem:$0x3FFE];
	[sflag:s23] =	ssyncadd.s32 $0xFFFFFFFF  }
0xab: {  	s26 =	simm.s32 $execute0_lowered;
	[smem:$0x3FD2] =	sst s25  }
0xac: {  	s7 =	sshll.u32 s26, $0x1;
	_ =	strace $0x80000046;
	[dreg:$0x1] =	wrdreg $0xFFFFFFFF  }
0xad: {  	s28 =	simm.s32 $_size_execute0_lowered;
	s5 =	sadd.s32 s5, s7;
	[dreg:$0x0] =	wrdreg $0x0  }
0xae: {  	s7 =	sshll.u32 s28, $0x1;
	[dreg:$0x2] =	wrdreg s5  }
0xaf: {  	[dreg:$0x3] =	wrdreg s7  }
0xb0: {  	[dreg:$0x4] =	wrdreg $0xC0  }
0xb1: {  	_ =	task [dreg:s9], $0x5FFFF  }
0xb2: {  	[dreg:$0x1] =	wrdreg $0xFFFFFFFF  }
0xb3: {  	[dreg:$0x0] =	wrdreg $0x60  }
0xb4: {  	[dreg:$0x2] =	wrdreg s24  }
0xb5: {  	[dreg:$0x3] =	wrdreg s16  }
0xb6: {  	[dreg:$0x4] =	wrdreg s17  }
0xb7: {  	[dreg:$0x5] =	wrdreg s18  }
0xb8: {  	[dreg:$0x6] =	wrdreg $0x83800  }
0xb9: {  	[dreg:$0x7] =	wrdreg $0x99000  }
0xba: {  	[dreg:$0x8] =	wrdreg $0x9  }
0xbb: {  	_ =	task.clear_ibuf [dreg:s9], $0x9FFFF;
	_ =	strace $0x90000046  }
0xbc: {  	s29 =	simm.s32 $0x9;
	_ =	strace $0x80000048  }
0xbd: {  	_ =	swait.ge [sflag:s29], $0x1  }
0xbe: {  	[sflag:s29] =	ssyncadd.s32 $0xFFFFFFFF  }
0xbf: {  	_ =	strace $0x90000048  }
0xc0: {  	_ =	sfence  }
0xc1: {  	s30 =	sld [smem:$0x0];
	_ =	sdelay $0x2  }
0xc2: {  	s31 =	sshll.u32 s1, $0xD;
	s1 =	sshrl.u32 s1, $0x2  }
0xc3: {  	s3 =	sand.u32 $0x4000, s31;
	s1 =	sadd.s32 s1, s30  }
0xc4: {  	s0 =	sor.u32 s3, s0;
	s1 =	sshll.u32 s1, $0x11  }
0xc5: {  	s0 =	sor.u32 s1, s0  }
0xc6: {  	s0 =	sadd.s32 $0x8F2B, s0  }
0xc7: {  	[sflag:s0] =	ssyncadd.remote.s32 $0x1  }
0xc8: {  	_ =	sfence.sel $0xFFFF  }
0xc9: {  	[dreg:$0x0] =	wrdreg $0xFFFFFFFF;
	(pc) =	sbr.abs _section_cstart, $3  }
0xca: {  	[dreg:$0x1] =	wrdreg $0xFFFFFFFF  }
0xcb: {  	_ =	task.clear_ibuf [dreg:s9], $0x2FFFF;
	_ =	strace $0x9FFFFFFF  }
0xcc: {  	(tm) =	ssettm $0x7FFFFFFF  }
0xcd: {  	_ =	shalt  }
tec
execute0_lowered:
.L_overlay_start_1:
0x0: {  	(tag) =	ssettag $0x1  }
0x1: {  	s0 =	rddreg [dreg:$0x0]  }
0x2: {  	s1 =	rddreg [dreg:$0x1]  }
0x3: {  	s3 =	rddreg [dreg:$0x2]  }
0x4: {  	s5 =	rddreg [dreg:$0x3]  }
0x5: {  	s15 =	rddreg [dreg:$0x4]  }
0x6: {  	s16 =	rddreg [dreg:$0x5];
	s2 =	srdreg.scid  }
0x7: {  	s13 =	stileid.u32;
	s24 =	simm.s32 $0x2B00;
	s25 =	simm.s32 $0x1  }
0x8: {  	s29 =	simm.s32 $0x0;
	s4 =	sand.u32 $0x1, s2;
	s7 =	sand.u32 $0x3, s13  }
0x9: {  	s8 =	sshrl.u32 s13, $0x2;
	s2 =	simm.s32 $0x0;
	s13 =	smul.u32 $0x1580, s13  }
0xa: {  	s6 =	sshll.u32 s4, $0x2;
	s9 =	smul.u32 $0x560, s8;
	[smem:$0x7FF] =	sst s2  }
0xb: {  	s4 =	ssub.s32 $0x2, s4;
	s14 =	smul.u32 $0x1580, s7;
	s6 =	sor.u32 s7, s6  }
0xc: {  	_ =	strace $0x80000047;
	s26 =	sshrl.u32 s4, $0x1;
	s7 =	sadd.s32 s13, s15  }
0xd: {  	s10 =	sshll.u32 s6, $0x6;
	s6 =	smul.u32 $0x1580, s6;
	s11 =	sshrl.u32 s9, $0x3  }
0xe: {  	v0 =	vimm.f32 $2.000000000e+00;
	s23 =	ssub.s32 s4, s26;
	s4 =	sshll.u32 s8, $0x4;
	s30 =	sadd.s32 s9, s14  }
0xf: {  	s8 =	sadd.s32 s13, s16;
	(erf) = vrcp.f32 v0;
	s26 =	simm.s32 $0x1580;
	s10 =	sadd.s32 s10, s0  }
0x10: {  	s12 =	sadd.s32 s11, s0;
	s1 =	sadd.s32 s1, s11;
	s31 =	sadd.s32 $0x5600, s30  }
0x11: {  	s14 =	sadd.s32 $0xAC00, s30;
	s23 =	smax.u32 s23, $0x1;
	s6 =	sadd.s32 s9, s6  }
0x12: {  	s28 =	sadd.s32 $0x1C00, s10;
	[dreg:$0x8] =	wrdreg s1;
	s9 =	sadd.s32 s30, s15  }
0x13: {  	s10 =	sadd.s32 s30, s16;
	s11 =	sadd.s32 s31, s15;
	s13 =	sadd.s32 s14, s15  }
0x14: {  	v2 =	vlaneseq.u32;
	s1 =	sadd.s32 $0x10200, s30;
	s14 =	sadd.s32 s14, s16;
	s18 =	sshrl.u32 s6, $0x3  }
0x15: {  	v8 =	vand.u32 $0x3, v2;
	[dreg:$0x7] =	wrdreg s28;
	s6 =	sadd.s32 $0x1E00, s12;
	s12 =	sadd.s32 s31, s16  }
0x16: {  	v1 =	vimm.f32 $0.0e+00;
	v3 =	vshrl.u32 v2, $0x2;
	v2 =	vadd.s32 $0xFFFFFFFF, v8;
	s15 =	sadd.s32 s1, s15;
	s16 =	sadd.s32 s1, s16;
	s0 =	sadd.s32 s18, s0  }
0x17: {  	v4 =	vadd.s32 $0xFFF, v8;
	v6 =	vadd.s32 $0x13FF, v8;
	v7 =	vadd.s32 $0x14FF, v8;
	s17 =	sadd.s32 s3, s18;
	s18 =	sadd.s32 s5, s18;
	s19 =	sadd.s32 $0x2200, s0  }
0x18: {  	v3 =	vadd.s32 $0xFFFFFFFF, v3;
	v8 =	vadd.s32 $0x153F, v8;
	v0 =	vimm.f32 $1.000000000e+08;
	s20 =	sadd.s32 $0x3800, s0;
	s21 =	sadd.s32 $0x4E00, s0;
	s22 =	sadd.s32 $0x6400, s0;
	v5 =	vpop (erf)  }
.LBB2_1:
0x19: {  	s0 =	rddreg [dreg:$0x7]  }
0x1a: {  	[tilespmem:s24], [sflag:$0x1] =	stream.linear.gather [hbm4b:s0+s2], $0x200, $0x38;
	[tilespmem:$0xAE80] =	vst v63  }
0x1b: {  	_ =	swait.ge [sflag:s25], $0x200  }
0x1c: {  	[sflag:s25] =	ssyncset.done $0x0  }
0x1d: {  	s0 =	simm.s32 $0x0;
	[sflag:s25] =	ssyncadd.s32 $0xFFFFFE00  }
.LBB2_2:
0x1e: {  	p0 =	sne.s32 s0, $0x55C0  }
.Ltmp0:
0x1f: {  	_ = 	snop;
	(pc) =	sbr.rel @p0 .LBB2_2-.Ltmp0, $4  }
0x20: {  	_ = 	snop  }
0x21: {  	s1 =	sshra.s32 s0, $0x2  }
0x22: {  	[tilespmem:s1+$0x0] =	vst v0  }
0x23: {  	s0 =	sadd.s32 $0x40, s0;
	[tilespmem:s1+$0x1580] =	vst v1  }
0x24: {  	s0 =	sadd.s32 $0x0, s4  }
0x25: {  	v9 =	vmov s0  }
0x26: {  	v10 =	vor.u32 $0x80, v9;
	_ =	sdelay $0x1  }
0x27: {  	v11 =	vor.u32 $0x40, v9  }
0x28: {  	v15 =	vor.u32 $0xC0, v9  }
0x29: {  	v14 =	vld.idx.msk [tilespmem:v9+s24+$0x0], $0xffff  }
0x2a: {  	v12 =	vld.idx.msk [tilespmem:v10+s24+$0x0], $0xffff;
	_ =	sdelay $0x1  }
0x2b: {  	v13 =	vld.idx.msk [tilespmem:v11+s24+$0x0], $0xffff  }
0x2c: {  	v10 =	vld.idx.msk [tilespmem:v15+s24+$0x0], $0xffff;
	_ =	sdelay $0x1  }
0x2d: {  	v9 =	vadd.f32 v12, v14;
	_ =	sdelay $0x1  }
0x2e: {  	v11 =	vmul.f32 v9, v5  }
0x2f: {  	v9 =	vadd.f32 v10, v13  }
0x30: {  	v16 =	vmul.f32 $1.250000000e-01, v11  }
0x31: {  	v17 =	vmul.f32 $6.250000000e-02, v11;
	v15 =	vmul.f32 v9, v5  }
0x32: {  	v9 =	vmul.f32 $3.125000000e-02, v11;
	v51 =	vmul.f32 $7.812500000e-03, v11  }
0x33: {  	v16 =	vtrunc.f32 v16;
	v18 =	vmul.f32 $1.250000000e-01, v15  }
0x34: {  	v17 =	vtrunc.f32 v17;
	v19 =	vmul.f32 $6.250000000e-02, v15  }
0x35: {  	v20 =	vmul.f32 $3.125000000e-02, v15;
	v9 =	vtrunc.f32 v9  }
0x36: {  	v40 =	vmul.f32 $1.562500000e-02, v15;
	v16 =	vcvt.f32.s32 v16  }
0x37: {  	v17 =	vcvt.f32.s32 v17;
	v60 =	vcvt.f32.s32 v9  }
0x38: {  	v18 =	vtrunc.f32 v18;
	v19 =	vtrunc.f32 v19  }
0x39: {  	v20 =	vtrunc.f32 v20;
	v16 =	vadd.s32 v2, v16;
	v18 =	vcvt.f32.s32 v18  }
0x3a: {  	v9 =	vcvt.f32.s32 v20;
	v21 =	vcvt.s32.f32 v16  }
0x3b: {  	v19 =	vcvt.f32.s32 v19;
	v62 =	vadd.s32 v2, v60;
	v18 =	vadd.s32 v3, v18  }
0x3c: {  	v36 =	vadd.s32 v3, v9;
	v21 =	vmul.f32 $8.000000000e+00, v21;
	v22 =	vcvt.s32.f32 v18  }
0x3d: {  	v23 =	vor.u32 v16, v18;
	v18 =	vshll.u32 v18, $0x6;
	v38 =	vshll.u32 v36, $0x4  }
0x3e: {  	v16 =	vadd.s32 v16, v18;
	v18 =	vadd.s32 v3, v19;
	vm5 =	vlt.u32 v23, $0x40  }
0x3f: {  	v21 =	vadd.f32 $4.000000000e+00, v21;
	v19 =	vmul.f32 $8.000000000e+00, v22;
	vm0 =	vgt.s32 v16, $0x0  }
0x40: {  	v22 =	vadd.s32 v2, v17;
	v25 =	vshll.u32 v18, $0x5;
	v26 =	vcvt.s32.f32 v18  }
0x41: {  	v16 =	vnsel vm0, $0x0, v16;
	v17 =	vadd.s32 v25, v17;
	v33 =	vcvt.s32.f32 v22  }
0x42: {  	v18 =	vor.u32 v22, v18;
	v24 =	vsub.f32 v11, v21;
	v19 =	vadd.f32 $4.000000000e+00, v19  }
0x43: {  	v56 =	vsub.f32 v21, v14;
	v27 =	vsub.f32 v21, v11;
	v17 =	vadd.s32 v4, v17  }
0x44: {  	v21 =	vsub.f32 v12, v21;
	v16 =	vmin.u32 v16, $0x157F;
	v59 =	vmul.f32 $1.600000000e+01, v26  }
0x45: {  	vm11 =	vlt.u32 v18, $0x20;
	vm14 =	vgt.s32 v17, $0x0;
	v28 =	vsub.f32 v19, v13  }
0x46: {  	v22 =	vmul.f32 $1.600000000e+01, v33;
	v29 =	vsub.f32 v10, v19;
	v30 =	vsub.f32 v19, v15  }
0x47: {  	v19 =	vsub.f32 v15, v19;
	v17 =	vnsel vm14, $0x0, v17;
	v25 =	vadd.f32 v21, v56  }
0x48: {  	v24 =	vmax.f32 v27, v24;
	v20 =	vadd.f32 $8.000000000e+00, v59;
	v22 =	vadd.f32 $8.000000000e+00, v22  }
0x49: {  	v17 =	vmin.u32 v17, $0x157F;
	v31 =	vmin.f32 v56, v28;
	v32 =	vmax.f32 v56, v28  }
0x4a: {  	v19 =	vmax.f32 v30, v19;
	v57 =	vmin.f32 v21, v29;
	v28 =	vadd.f32 v29, v28  }
0x4b: {  	v21 =	vmax.f32 v21, v29;
	v63 =	vsub.f32 v20, v13;
	v33 =	vsub.f32 v20, v15  }
0x4c: {  	v23 =	vsub.f32 v10, v20;
	v9 =	vsub.f32 v15, v20;
	v19 =	vmax.f32 v24, v19  }
0x4d: {  	v58 =	vmin.f32 v31, v57;
	vm1 =	vlt.f32 v19, $1.200000000e+01;
	v19 =	vmax.f32 v32, v21;
	v21 =	vld.idx.msk [tilespmem:v16+s2+$0x0], $0xffff  }
0x4e: {  	v61 =	vsub.f32 v12, v22;
	v34 =	vsub.f32 v11, v22;
	vm15 =	vgt.f32 v58, $0.0e+00  }
0x4f: {  	v37 =	vadd.f32 v23, v63;
	vm2 =	vgt.f32 v19, $-1.000000000e+00;
	vm4 =	vle.f32 v19, $6.400000000e+01  }
0x50: {  	v19 =	vmul.f32 v28, v25;
	v25 =	vtrunc.f32 v40;
	vm0 =	vmand vm15, vm2  }
0x51: {  	v35 =	vmin.f32 v61, v23;
	v43 =	vcvt.f32.s32 v25;
	vm0 =	vmand vm4, vm0  }
0x52: {  	vm0 =	vmand vm1, vm0;
	vm6 =	vlt.f32 v19, v21;
	v21 =	vsub.f32 v22, v14  }
0x53: {  	v28 =	vmax.f32 v33, v9;
	v24 =	vadd.s32 v3, v43;
	vm0 =	vmand vm5, vm0  }
0x54: {  	v22 =	vsub.f32 v22, v11;
	vm0 =	vmand vm6, vm0;
	v20 =	vmin.f32 v21, v63  }
0x55: {  	v9 =	vmax.f32 v21, v63;
	v21 =	vadd.f32 v61, v21;
	v20 =	vmin.f32 v20, v35  }
0x56: {  	s0 =	scvt.s32.f32 s0;
	v22 =	vmax.f32 v22, v34;
	vm7 =	vgt.f32 v20, $0.0e+00;
	v20 =	vmax.f32 v61, v23  }
0x57: {  	v23 =	vcvt.s32.f32 v36;
	v21 =	vmul.f32 v37, v21;
	v20 =	vmax.f32 v9, v20  }
0x58: {  	v9 =	vmov s0;
	vm8 =	vgt.f32 v20, $6.400000000e+01;
	vm3 =	vle.f32 v20, $1.280000000e+02  }
0x59: {  	v20 =	vmax.f32 v22, v28;
	v22 =	vadd.s32 v38, v60;
	vm1 =	vmand vm7, vm8  }
0x5a: {  	[tilespmem:v16+s2+$0x0] =	vst.idx.msk vm0, v19;
	v19 =	vadd.s32 v6, v22;
	v22 =	vmul.f32 $3.200000000e+01, v23;
	v23 =	vcvt.s32.f32 v62  }
0x5b: {  	vm10 =	vlt.f32 v20, $2.400000000e+01;
	v20 =	vmul.f32 $1.562500000e-02, v11;
	[tilespmem:v16+s26+$0x0] =	vst.idx.msk vm0, v9;
	vm9 =	vgt.s32 v19, $0x0  }
0x5c: {  	vm1 =	vmand vm3, vm1;
	v16 =	vor.u32 v62, v36;
	v39 =	vld.idx.msk [tilespmem:v17+s2+$0x0], $0xffff;
	v19 =	vnsel vm9, $0x0, v19  }
0x5d: {  	v22 =	vadd.f32 $1.600000000e+01, v22;
	vm0 =	vmand vm10, vm1;
	v23 =	vmul.f32 $3.200000000e+01, v23  }
0x5e: {  	v20 =	vtrunc.f32 v20;
	vm7 =	vlt.u32 v16, $0x10;
	vm0 =	vmand vm11, vm0  }
0x5f: {  	v20 =	vcvt.f32.s32 v20;
	v41 =	vsub.f32 v22, v13;
	v23 =	vadd.f32 $1.600000000e+01, v23  }
0x60: {  	v19 =	vmin.u32 v19, $0x157F;
	v18 =	vsub.f32 v10, v22;
	v42 =	vsub.f32 v22, v15  }
0x61: {  	v22 =	vsub.f32 v15, v22;
	v44 =	vsub.f32 v23, v14;
	vm12 =	vlt.f32 v21, v39  }
0x62: {  	v45 =	vsub.f32 v12, v23;
	v46 =	vadd.f32 v18, v41;
	vm0 =	vmand vm12, vm0  }
0x63: {  	v47 =	vsub.f32 v23, v11;
	v22 =	vmax.f32 v42, v22;
	v48 =	vmin.f32 v44, v41  }
0x64: {  	v49 =	vmin.f32 v45, v18;
	v26 =	vmax.f32 v44, v41;
	v18 =	vmax.f32 v45, v18  }
0x65: {  	v25 =	vadd.f32 v45, v44;
	v27 =	vmin.f32 v48, v49;
	v18 =	vmax.f32 v26, v18  }
0x66: {  	v23 =	vsub.f32 v11, v23;
	vm13 =	vgt.f32 v27, $0.0e+00;
	vm14 =	vgt.f32 v18, $1.280000000e+02  }
0x67: {  	vm15 =	vle.f32 v18, $2.560000000e+02;
	v18 =	vshll.u32 v24, $0x3;
	v50 =	vmul.f32 v46, v25  }
0x68: {  	v25 =	vtrunc.f32 v51;
	vm1 =	vmand vm13, vm14;
	v18 =	vadd.s32 v18, v20;
	[tilespmem:v17+s2+$0x0] =	vst.idx.msk vm0, v21  }
0x69: {  	v25 =	vcvt.f32.s32 v25;
	v18 =	vadd.s32 v7, v18;
	v21 =	vmax.f32 v47, v23;
	[tilespmem:v17+s26+$0x0] =	vst.idx.msk vm0, v9  }
0x6a: {  	vm6 =	vgt.s32 v18, $0x0;
	v23 =	vcvt.s32.f32 v24;
	v21 =	vmax.f32 v21, v22;
	v22 =	vld.idx.msk [tilespmem:v19+s2+$0x0], $0xffff  }
0x6b: {  	vm4 =	vmand vm15, vm1;
	v60 =	vadd.s32 v2, v25;
	v18 =	vnsel vm6, $0x0, v18  }
0x6c: {  	v17 =	vadd.s32 v2, v20;
	vm5 =	vlt.f32 v21, $4.800000000e+01;
	v21 =	vmul.f32 $6.400000000e+01, v23  }
0x6d: {  	v61 =	vcvt.s32.f32 v60;
	v20 =	vor.u32 v17, v24;
	v17 =	vcvt.s32.f32 v17  }
0x6e: {  	v23 =	vmul.f32 $7.812500000e-03, v15;
	vm0 =	vmand vm5, vm4;
	v21 =	vadd.f32 $3.200000000e+01, v21  }
0x6f: {  	v16 =	vmul.f32 $6.400000000e+01, v17;
	vm0 =	vmand vm7, vm0;
	vm8 =	vlt.f32 v50, v22  }
0x70: {  	v23 =	vtrunc.f32 v23;
	v17 =	vsub.f32 v21, v13;
	vm0 =	vmand vm8, vm0  }
0x71: {  	v23 =	vcvt.f32.s32 v23;
	v52 =	vsub.f32 v21, v15;
	v16 =	vadd.f32 $3.200000000e+01, v16  }
0x72: {  	v18 =	vmin.u32 v18, $0x157F;
	v22 =	vsub.f32 v10, v21;
	v21 =	vsub.f32 v15, v21  }
0x73: {  	v23 =	vadd.s32 v3, v23;
	v53 =	vsub.f32 v16, v14;
	v55 =	vsub.f32 v12, v16  }
0x74: {  	v54 =	vsub.f32 v11, v16;
	v16 =	vsub.f32 v16, v11;
	v21 =	vmax.f32 v52, v21  }
0x75: {  	v56 =	vmin.f32 v53, v17;
	v57 =	vmax.f32 v53, v17;
	v58 =	vmin.f32 v55, v22  }
0x76: {  	vm13 =	vlt.u32 v20, $0x8;
	v17 =	vadd.f32 v22, v17;
	v16 =	vmax.f32 v16, v54;
	[tilespmem:v19+s2+$0x0] =	vst.idx.msk vm0, v50  }
0x77: {  	v59 =	vcvt.s32.f32 v23;
	v22 =	vmax.f32 v55, v22;
	v24 =	vmin.f32 v56, v58;
	[tilespmem:v19+s26+$0x0] =	vst.idx.msk vm0, v9  }
0x78: {  	v16 =	vmax.f32 v16, v21;
	v22 =	vmax.f32 v57, v22;
	vm9 =	vgt.f32 v24, $0.0e+00;
	v21 =	vld.idx.msk [tilespmem:v18+s2+$0x0], $0xffff  }
0x79: {  	vm10 =	vlt.f32 v16, $9.600000000e+01;
	vm11 =	vgt.f32 v22, $2.560000000e+02;
	v19 =	vadd.f32 v55, v53  }
0x7a: {  	v16 =	vshll.u32 v23, $0x2;
	vm12 =	vle.f32 v22, $5.120000000e+02;
	vm0 =	vmand vm9, vm11  }
0x7b: {  	v16 =	vadd.s32 v16, v25;
	vm0 =	vmand vm12, vm0;
	v19 =	vmul.f32 v17, v19  }
0x7c: {  	v20 =	vmul.f32 $1.280000000e+02, v59;
	v16 =	vadd.s32 v8, v16;
	vm0 =	vmand vm10, vm0  }
0x7d: {  	v17 =	vmul.f32 $1.280000000e+02, v61;
	vm0 =	vmand vm13, vm0;
	vm14 =	vlt.f32 v19, v21  }
0x7e: {  	v20 =	vadd.f32 $6.400000000e+01, v20;
	vm15 =	vgt.s32 v16, $0x0;
	vm0 =	vmand vm14, vm0  }
0x7f: {  	v16 =	vnsel vm15, $0x0, v16;
	v21 =	vadd.f32 $6.400000000e+01, v17  }
0x80: {  	v13 =	vsub.f32 v20, v13;
	v63 =	vsub.f32 v15, v20;
	v16 =	vmin.u32 v16, $0x157F  }
0x81: {  	v17 =	vor.u32 v60, v23;
	v23 =	vsub.f32 v20, v15;
	v14 =	vsub.f32 v21, v14  }
0x82: {  	v22 =	vsub.f32 v11, v21;
	v62 =	vsub.f32 v12, v21  }
0x83: {  	v21 =	vsub.f32 v21, v11;
	v11 =	vsub.f32 v10, v20;
	v15 =	vmin.f32 v14, v13  }
0x84: {  	v12 =	vadd.f32 v62, v14;
	v14 =	vmax.f32 v14, v13;
	[tilespmem:v18+s2+$0x0] =	vst.idx.msk vm0, v19  }
0x85: {  	v10 =	vmax.f32 v21, v22;
	[tilespmem:v18+s26+$0x0] =	vst.idx.msk vm0, v9;
	v18 =	vmax.f32 v23, v63  }
0x86: {  	s30 =	simm.s32 $0x1;
	v20 =	vmax.f32 v62, v11;
	v19 =	vmin.f32 v62, v11;
	v18 =	vmax.f32 v10, v18;
	v10 =	vld.idx.msk [tilespmem:v16+s2+$0x0], $0xffff  }
.LBB2_4:
0x87: {  	p0 =	sne.s32 s30, $0xF;
	v15 =	vmin.f32 v15, v19;
	v14 =	vmax.f32 v14, v20;
	v11 =	vadd.f32 v11, v13;
	s0 =	smov.u32 s30;
	s30 =	sadd.s32 $0x1, s30  }
0x88: {  	vm2 =	vlt.f32 v18, $1.920000000e+02;
	vm0 =	vgt.f32 v15, $0.0e+00;
	vm1 =	vgt.f32 v14, $5.120000000e+02  }
0x89: {  	vm0 =	vmand vm0, vm1;
	vm1 =	vle.f32 v14, $9.999990000e+05  }
0x8a: {  	v11 =	vmul.f32 v11, v12;
	vm0 =	vmand vm1, vm0  }
0x8b: {  	vm1 =	vlt.u32 v17, $0x4;
	vm0 =	vmand vm2, vm0  }
0x8c: {  	vm0 =	vmand vm1, vm0;
	vm1 =	vlt.f32 v11, v10  }
0x8d: {  	s0 =	sadd.s32 s0, s4;
	vm0 =	vmand vm1, vm0  }
0x8e: {  	v10 =	vmov s0;
	s0 =	scvt.s32.f32 s0  }
0x8f: {  	v13 =	vor.u32 $0x40, v10;
	v14 =	vor.u32 $0x80, v10;
	v15 =	vor.u32 $0xC0, v10;
	_ =	sdelay $0x3  }
0x90: {  	[tilespmem:v16+s2+$0x0] =	vst.idx.msk vm0, v11  }
0x91: {  	[tilespmem:v16+s26+$0x0] =	vst.idx.msk vm0, v9  }
0x92: {  	v12 =	vld.idx.msk [tilespmem:v10+s24+$0x0], $0xffff  }
0x93: {  	v11 =	vld.idx.msk [tilespmem:v14+s24+$0x0], $0xffff  }
0x94: {  	v13 =	vld.idx.msk [tilespmem:v13+s24+$0x0], $0xffff  }
0x95: {  	v10 =	vld.idx.msk [tilespmem:v15+s24+$0x0], $0xffff;
	_ =	sdelay $0x3  }
0x96: {  	v9 =	vadd.f32 v11, v12;
	_ =	sdelay $0x1  }
0x97: {  	v14 =	vmul.f32 v9, v5;
	v9 =	vadd.f32 v10, v13;
	_ =	sdelay $0x1  }
0x98: {  	v16 =	vmul.f32 $1.250000000e-01, v14;
	v17 =	vmul.f32 $6.250000000e-02, v14  }
0x99: {  	v15 =	vmul.f32 v9, v5;
	v9 =	vmul.f32 $3.125000000e-02, v14  }
0x9a: {  	v16 =	vtrunc.f32 v16;
	v17 =	vtrunc.f32 v17  }
0x9b: {  	v18 =	vmul.f32 $1.250000000e-01, v15;
	v16 =	vcvt.f32.s32 v16  }
0x9c: {  	v19 =	vmul.f32 $6.250000000e-02, v15;
	v20 =	vmul.f32 $3.125000000e-02, v15  }
0x9d: {  	v9 =	vtrunc.f32 v9;
	v18 =	vtrunc.f32 v18;
	v16 =	vadd.s32 v2, v16  }
0x9e: {  	v18 =	vcvt.f32.s32 v18;
	v21 =	vcvt.s32.f32 v16  }
0x9f: {  	v17 =	vcvt.f32.s32 v17;
	v19 =	vtrunc.f32 v19  }
0xa0: {  	v19 =	vcvt.f32.s32 v19;
	v18 =	vadd.s32 v3, v18;
	v21 =	vmul.f32 $8.000000000e+00, v21  }
0xa1: {  	v22 =	vor.u32 v16, v18;
	v23 =	vcvt.s32.f32 v18;
	v18 =	vshll.u32 v18, $0x6  }
0xa2: {  	v16 =	vadd.s32 v16, v18;
	v18 =	vadd.s32 v3, v19;
	v21 =	vadd.f32 $4.000000000e+00, v21  }
0xa3: {  	v19 =	vmul.f32 $8.000000000e+00, v23;
	vm0 =	vgt.s32 v16, $0x0;
	v23 =	vadd.s32 v2, v17  }
0xa4: {  	v25 =	vshll.u32 v18, $0x5;
	v16 =	vnsel vm0, $0x0, v16;
	v24 =	vsub.f32 v14, v21  }
0xa5: {  	v26 =	vcvt.s32.f32 v18;
	v17 =	vadd.s32 v25, v17;
	v19 =	vadd.f32 $4.000000000e+00, v19  }
0xa6: {  	v25 =	vsub.f32 v21, v12;
	v27 =	vsub.f32 v21, v14;
	v17 =	vadd.s32 v4, v17  }
0xa7: {  	vm0 =	vgt.s32 v17, $0x0;
	v28 =	vsub.f32 v19, v13;
	v29 =	vsub.f32 v10, v19  }
0xa8: {  	v30 =	vsub.f32 v19, v15;
	v19 =	vsub.f32 v15, v19;
	v17 =	vnsel vm0, $0x0, v17  }
0xa9: {  	v33 =	vcvt.s32.f32 v23;
	v31 =	vmin.f32 v25, v28;
	v32 =	vmax.f32 v25, v28  }
0xaa: {  	v18 =	vor.u32 v23, v18;
	v21 =	vsub.f32 v11, v21;
	v16 =	vmin.u32 v16, $0x157F  }
0xab: {  	v20 =	vtrunc.f32 v20;
	v23 =	vmul.f32 $1.600000000e+01, v33;
	v19 =	vmax.f32 v30, v19  }
0xac: {  	v24 =	vmax.f32 v27, v24;
	v30 =	vmin.f32 v21, v29;
	v28 =	vadd.f32 v29, v28  }
0xad: {  	v25 =	vadd.f32 v21, v25;
	v27 =	vmin.f32 v31, v30;
	v19 =	vmax.f32 v24, v19  }
0xae: {  	v21 =	vmax.f32 v21, v29;
	vm0 =	vgt.f32 v27, $0.0e+00;
	vm1 =	vlt.f32 v19, $1.200000000e+01  }
0xaf: {  	v23 =	vadd.f32 $8.000000000e+00, v23;
	v24 =	vmul.f32 $1.600000000e+01, v26;
	v19 =	vmax.f32 v32, v21;
	v21 =	vld.idx.msk [tilespmem:v16+s2+$0x0], $0xffff  }
0xb0: {  	v26 =	vcvt.f32.s32 v9;
	v9 =	vcvt.f32.s32 v20;
	vm2 =	vgt.f32 v19, $-1.000000000e+00  }
0xb1: {  	v20 =	vadd.f32 $8.000000000e+00, v24;
	v24 =	vsub.f32 v11, v23;
	vm0 =	vmand vm0, vm2  }
0xb2: {  	v25 =	vmul.f32 v28, v25;
	vm2 =	vle.f32 v19, $6.400000000e+01;
	v19 =	vadd.s32 v2, v26  }
0xb3: {  	vm0 =	vmand vm2, vm0;
	v27 =	vsub.f32 v20, v13;
	v28 =	vsub.f32 v20, v15  }
0xb4: {  	vm2 =	vlt.u32 v22, $0x40;
	v22 =	vsub.f32 v10, v20;
	vm0 =	vmand vm1, vm0  }
0xb5: {  	v29 =	vsub.f32 v14, v23;
	vm1 =	vlt.f32 v25, v21;
	v21 =	vsub.f32 v23, v12  }
0xb6: {  	v31 =	vadd.s32 v3, v9;
	vm0 =	vmand vm2, vm0;
	v30 =	vmin.f32 v24, v22  }
0xb7: {  	v20 =	vsub.f32 v15, v20;
	v23 =	vsub.f32 v23, v14;
	v9 =	vmin.f32 v21, v27  }
0xb8: {  	vm0 =	vmand vm1, vm0;
	v9 =	vmin.f32 v9, v30;
	v30 =	vadd.f32 v22, v27  }
0xb9: {  	v17 =	vmin.u32 v17, $0x157F;
	v20 =	vmax.f32 v28, v20;
	vm1 =	vgt.f32 v9, $0.0e+00  }
0xba: {  	v23 =	vmax.f32 v23, v29;
	v22 =	vmax.f32 v24, v22;
	v9 =	vmax.f32 v21, v27  }
0xbb: {  	v28 =	vshll.u32 v31, $0x4;
	v27 =	vcvt.s32.f32 v31;
	v22 =	vmax.f32 v9, v22  }
0xbc: {  	v9 =	vmov s0;
	vm2 =	vgt.f32 v22, $6.400000000e+01;
	vm3 =	vle.f32 v22, $1.280000000e+02  }
0xbd: {  	v20 =	vmax.f32 v23, v20;
	v22 =	vadd.s32 v28, v26;
	vm1 =	vmand vm1, vm2  }
0xbe: {  	v21 =	vadd.f32 v24, v21;
	v22 =	vadd.s32 v6, v22;
	vm1 =	vmand vm3, vm1;
	[tilespmem:v16+s2+$0x0] =	vst.idx.msk vm0, v25  }
0xbf: {  	v23 =	vmul.f32 $3.200000000e+01, v27;
	[tilespmem:v16+s26+$0x0] =	vst.idx.msk vm0, v9;
	v16 =	vor.u32 v19, v31;
	vm0 =	vgt.s32 v22, $0x0  }
0xc0: {  	v25 =	vmul.f32 $1.562500000e-02, v15;
	v19 =	vcvt.s32.f32 v19;
	v24 =	vld.idx.msk [tilespmem:v17+s2+$0x0], $0xffff;
	v22 =	vnsel vm0, $0x0, v22  }
0xc1: {  	vm0 =	vlt.f32 v20, $2.400000000e+01;
	v20 =	vadd.f32 $1.600000000e+01, v23;
	v23 =	vmul.f32 $1.562500000e-02, v14  }
0xc2: {  	v21 =	vmul.f32 v30, v21;
	vm0 =	vmand vm0, vm1;
	v19 =	vmul.f32 $3.200000000e+01, v19  }
0xc3: {  	vm1 =	vlt.u32 v18, $0x20;
	v18 =	vsub.f32 v20, v13;
	v26 =	vsub.f32 v10, v20  }
0xc4: {  	vm0 =	vmand vm1, vm0;
	v27 =	vsub.f32 v20, v15;
	v20 =	vsub.f32 v15, v20  }
0xc5: {  	v25 =	vtrunc.f32 v25;
	v23 =	vtrunc.f32 v23;
	v19 =	vadd.f32 $1.600000000e+01, v19  }
0xc6: {  	v23 =	vcvt.f32.s32 v23;
	vm1 =	vlt.f32 v21, v24;
	v24 =	vcvt.f32.s32 v25  }
0xc7: {  	v25 =	vsub.f32 v19, v12;
	v28 =	vsub.f32 v11, v19;
	vm0 =	vmand vm1, vm0  }
0xc8: {  	v29 =	vadd.f32 v26, v18;
	v20 =	vmax.f32 v27, v20;
	v30 =	vsub.f32 v19, v14  }
0xc9: {  	v27 =	vmin.f32 v25, v18;
	v31 =	vmin.f32 v28, v26;
	v18 =	vmax.f32 v25, v18  }
0xca: {  	v22 =	vmin.u32 v22, $0x157F;
	v26 =	vmax.f32 v28, v26;
	v27 =	vmin.f32 v27, v31  }
0xcb: {  	v19 =	vsub.f32 v14, v19;
	v18 =	vmax.f32 v18, v26;
	vm1 =	vgt.f32 v27, $0.0e+00  }
0xcc: {  	v25 =	vadd.f32 v28, v25;
	v24 =	vadd.s32 v3, v24;
	vm2 =	vgt.f32 v18, $1.280000000e+02  }
0xcd: {  	vm1 =	vmand vm1, vm2;
	vm2 =	vle.f32 v18, $2.560000000e+02;
	v18 =	vshll.u32 v24, $0x3;
	[tilespmem:v17+s2+$0x0] =	vst.idx.msk vm0, v21  }
0xce: {  	[tilespmem:v17+s26+$0x0] =	vst.idx.msk vm0, v9;
	v17 =	vmax.f32 v30, v19;
	vm0 =	vmand vm2, vm1;
	v19 =	vadd.s32 v2, v23  }
0xcf: {  	v18 =	vadd.s32 v18, v23;
	v21 =	vcvt.s32.f32 v24;
	v17 =	vmax.f32 v17, v20;
	v20 =	vld.idx.msk [tilespmem:v22+s2+$0x0], $0xffff  }
0xd0: {  	v18 =	vadd.s32 v7, v18;
	vm1 =	vlt.f32 v17, $4.800000000e+01;
	v17 =	vor.u32 v19, v24  }
0xd1: {  	v21 =	vmul.f32 $6.400000000e+01, v21;
	vm0 =	vmand vm1, vm0;
	vm1 =	vgt.s32 v18, $0x0  }
0xd2: {  	v23 =	vmul.f32 $7.812500000e-03, v15;
	v19 =	vcvt.s32.f32 v19;
	v18 =	vnsel vm1, $0x0, v18  }
0xd3: {  	v24 =	vmul.f32 v29, v25;
	v25 =	vmul.f32 $7.812500000e-03, v14;
	v21 =	vadd.f32 $3.200000000e+01, v21  }
0xd4: {  	vm1 =	vlt.u32 v16, $0x10;
	v16 =	vmul.f32 $6.400000000e+01, v19;
	v19 =	vtrunc.f32 v23  }
0xd5: {  	vm0 =	vmand vm1, vm0;
	vm1 =	vlt.f32 v24, v20;
	v20 =	vsub.f32 v21, v13  }
0xd6: {  	v23 =	vsub.f32 v10, v21;
	v26 =	vsub.f32 v21, v15;
	vm0 =	vmand vm1, vm0  }
0xd7: {  	v19 =	vcvt.f32.s32 v19;
	v16 =	vadd.f32 $3.200000000e+01, v16;
	v21 =	vsub.f32 v15, v21  }
0xd8: {  	v25 =	vtrunc.f32 v25  }
0xd9: {  	v18 =	vmin.u32 v18, $0x157F;
	v27 =	vsub.f32 v16, v12;
	v28 =	vsub.f32 v14, v16  }
0xda: {  	v29 =	vsub.f32 v11, v16;
	v16 =	vsub.f32 v16, v14;
	v21 =	vmax.f32 v26, v21  }
0xdb: {  	v19 =	vadd.s32 v3, v19;
	v26 =	vmin.f32 v27, v20;
	v30 =	vmax.f32 v27, v20  }
0xdc: {  	v31 =	vcvt.s32.f32 v19;
	v20 =	vadd.f32 v23, v20;
	[tilespmem:v22+s2+$0x0] =	vst.idx.msk vm0, v24;
	v24 =	vmin.f32 v29, v23  }
0xdd: {  	v25 =	vcvt.f32.s32 v25;
	v16 =	vmax.f32 v16, v28;
	[tilespmem:v22+s26+$0x0] =	vst.idx.msk vm0, v9;
	v22 =	vadd.f32 v29, v27  }
0xde: {  	v16 =	vmax.f32 v16, v21;
	v23 =	vmax.f32 v29, v23;
	v24 =	vmin.f32 v26, v24;
	v21 =	vld.idx.msk [tilespmem:v18+s2+$0x0], $0xffff  }
0xdf: {  	vm1 =	vlt.f32 v16, $9.600000000e+01;
	v23 =	vmax.f32 v30, v23;
	vm0 =	vgt.f32 v24, $0.0e+00  }
0xe0: {  	v16 =	vadd.s32 v2, v25;
	vm2 =	vgt.f32 v23, $2.560000000e+02;
	v24 =	vshll.u32 v19, $0x2  }
0xe1: {  	v26 =	vcvt.s32.f32 v16;
	vm0 =	vmand vm0, vm2;
	v24 =	vadd.s32 v24, v25  }
0xe2: {  	v20 =	vmul.f32 v20, v22;
	vm2 =	vle.f32 v23, $5.120000000e+02;
	v22 =	vadd.s32 v8, v24  }
0xe3: {  	vm3 =	vlt.u32 v17, $0x8;
	v23 =	vmul.f32 $1.280000000e+02, v26;
	vm0 =	vmand vm2, vm0  }
0xe4: {  	vm0 =	vmand vm1, vm0;
	vm2 =	vgt.s32 v22, $0x0;
	vm1 =	vlt.f32 v20, v21  }
0xe5: {  	vm0 =	vmand vm3, vm0;
	v22 =	vnsel vm2, $0x0, v22;
	v21 =	vmul.f32 $1.280000000e+02, v31  }
0xe6: {  	v17 =	vor.u32 v16, v19;
	v19 =	vadd.f32 $6.400000000e+01, v23;
	vm0 =	vmand vm1, vm0  }
0xe7: {  	v21 =	vadd.f32 $6.400000000e+01, v21  }
0xe8: {  	v23 =	vsub.f32 v19, v12;
	v24 =	vsub.f32 v14, v19;
	v16 =	vmin.u32 v22, $0x157F  }
0xe9: {  	v22 =	vsub.f32 v11, v19;
	v13 =	vsub.f32 v21, v13  }
.Ltmp1:
0xea: {  	v25 =	vsub.f32 v21, v15;
	v26 =	vsub.f32 v15, v21;
	(pc) =	sbr.rel @p0 .LBB2_4-.Ltmp1, $4  }
0xeb: {  	v19 =	vsub.f32 v19, v14;
	v12 =	vadd.f32 v22, v23;
	v15 =	vmin.f32 v23, v13  }
0xec: {  	v11 =	vsub.f32 v10, v21;
	v14 =	vmax.f32 v23, v13;
	[tilespmem:v18+s2+$0x0] =	vst.idx.msk vm0, v20  }
0xed: {  	v10 =	vmax.f32 v19, v24;
	[tilespmem:v18+s26+$0x0] =	vst.idx.msk vm0, v9;
	v18 =	vmax.f32 v25, v26  }
0xee: {  	v19 =	vmin.f32 v22, v11;
	v20 =	vmax.f32 v22, v11;
	v18 =	vmax.f32 v10, v18;
	v10 =	vld.idx.msk [tilespmem:v16+s2+$0x0], $0xffff  }
0xef: {  	v15 =	vmin.f32 v15, v19;
	v14 =	vmax.f32 v14, v20  }
0xf0: {  	v11 =	vadd.f32 v11, v13;
	vm0 =	vgt.f32 v15, $0.0e+00;
	vm1 =	vgt.f32 v14, $5.120000000e+02  }
0xf1: {  	vm10 =	vle.f32 v14, $9.999990000e+05;
	vm0 =	vmand vm0, vm1  }
0xf2: {  	vm2 =	vlt.f32 v18, $1.920000000e+02;
	v11 =	vmul.f32 v11, v12;
	vm0 =	vmand vm10, vm0  }
0xf3: {  	vm11 =	vlt.u32 v17, $0x4;
	vm0 =	vmand vm2, vm0  }
0xf4: {  	vm12 =	vlt.f32 v11, v10;
	vm0 =	vmand vm11, vm0  }
0xf5: {  	vm0 =	vmand vm12, vm0;
	_ =	sdelay $0x5  }
0xf6: {  	[tilespmem:v16+s2+$0x0] =	vst.idx.msk vm0, v11  }
0xf7: {  	s3 =	simm.s32 $0x0;
	s0 =	rddreg [dreg:$0x8];
	s1 =	simm.s32 $0x5800;
	[tilespmem:v16+s26+$0x0] =	vst.idx.msk vm0, v9  }
0xf8: {  	[tilespmem:s1], [sflag:$0x1] =	stream.linear.gather [hbm4b:s0+s3], $0x560, $0x38;
	[tilespmem:$0xAE80] =	vst v63  }
0xf9: {  	_ =	swait.ge [sflag:s25], $0x560  }
0xfa: {  	[sflag:s25] =	ssyncset.done $0x0  }
0xfb: {  	s30 =	simm.s32 $0x5D60;
	[sflag:s25] =	ssyncadd.s32 $0xFFFFFAA0  }
0xfc: {  	[tilespmem:s30], [sflag:$0x1] =	stream.linear.gather [hbm4b:s6+s3], $0x560, $0x38;
	[tilespmem:$0xAE80] =	vst v63  }
0xfd: {  	_ =	swait.ge [sflag:s25], $0x560  }
0xfe: {  	[sflag:s25] =	ssyncset.done $0x0  }
0xff: {  	[sflag:s25] =	ssyncadd.s32 $0xFFFFFAA0  }
0x100: {  	[spmem:s7] =	stream.linear.scatter [tilespmem:s3], [sflag:$0x1], $0x1580, $0x38;
	[tilespmem:$0xAE80] =	vst v63  }
0x101: {  	_ =	swait.ge [sflag:s25], $0x1580  }
0x102: {  	[sflag:s25] =	ssyncset.done $0x0  }
0x103: {  	[sflag:s25] =	ssyncadd.s32 $0xFFFFEA80  }
0x104: {  	[spmem:s8] =	stream.linear.scatter [tilespmem:s26], [sflag:$0x1], $0x1580, $0x38;
	[tilespmem:$0xAE80] =	vst v63  }
0x105: {  	_ =	swait.ge [sflag:s25], $0x1580  }
0x106: {  	[sflag:s25] =	ssyncset.done $0x0  }
0x107: {  	[sflag:s25] =	ssyncadd.s32 $0xFFFFEA80  }
0x108: {  	s5 =	simm.s32 $0x2D00;
	[bflag:$0x0] =	sbarrier.arrive $0xFFFF  }
0x109: {  	[tilespmem:s5], [sflag:$0x1] =	stream.linear.gather [spmem:s9], $0x560, $0x38;
	[tilespmem:$0xAE80] =	vst v63  }
0x10a: {  	_ =	swait.ge [sflag:s25], $0x560  }
0x10b: {  	[sflag:s25] =	ssyncset.done $0x0  }
0x10c: {  	s1 =	simm.s32 $0x4280;
	[sflag:s25] =	ssyncadd.s32 $0xFFFFFAA0  }
0x10d: {  	[tilespmem:s1], [sflag:$0x1] =	stream.linear.gather [spmem:s10], $0x560, $0x38;
	[tilespmem:$0xAE80] =	vst v63  }
0x10e: {  	_ =	swait.ge [sflag:s25], $0x560  }
0x10f: {  	[sflag:s25] =	ssyncset.done $0x0  }
0x110: {  	s5 =	simm.s32 $0x3260;
	[sflag:s25] =	ssyncadd.s32 $0xFFFFFAA0  }
0x111: {  	[tilespmem:s5], [sflag:$0x1] =	stream.linear.gather [spmem:s11], $0x560, $0x38;
	[tilespmem:$0xAE80] =	vst v63  }
0x112: {  	_ =	swait.ge [sflag:s25], $0x560  }
0x113: {  	[sflag:s25] =	ssyncset.done $0x0  }
0x114: {  	s1 =	simm.s32 $0x47E0;
	[sflag:s25] =	ssyncadd.s32 $0xFFFFFAA0  }
0x115: {  	[tilespmem:s1], [sflag:$0x1] =	stream.linear.gather [spmem:s12], $0x560, $0x38;
	[tilespmem:$0xAE80] =	vst v63  }
0x116: {  	_ =	swait.ge [sflag:s25], $0x560  }
0x117: {  	[sflag:s25] =	ssyncset.done $0x0  }
0x118: {  	s31 =	simm.s32 $0x37C0;
	[sflag:s25] =	ssyncadd.s32 $0xFFFFFAA0  }
0x119: {  	[tilespmem:s31], [sflag:$0x1] =	stream.linear.gather [spmem:s13], $0x560, $0x38;
	[tilespmem:$0xAE80] =	vst v63  }
0x11a: {  	_ =	swait.ge [sflag:s25], $0x560  }
0x11b: {  	[sflag:s25] =	ssyncset.done $0x0  }
0x11c: {  	s0 =	simm.s32 $0x4D40;
	[sflag:s25] =	ssyncadd.s32 $0xFFFFFAA0  }
0x11d: {  	[tilespmem:s0], [sflag:$0x1] =	stream.linear.gather [spmem:s14], $0x560, $0x38;
	[tilespmem:$0xAE80] =	vst v63  }
0x11e: {  	_ =	swait.ge [sflag:s25], $0x560  }
0x11f: {  	[sflag:s25] =	ssyncset.done $0x0  }
0x120: {  	s5 =	simm.s32 $0x3D20;
	[sflag:s25] =	ssyncadd.s32 $0xFFFFFAA0  }
0x121: {  	[tilespmem:s5], [sflag:$0x1] =	stream.linear.gather [spmem:s15], $0x560, $0x38;
	[tilespmem:$0xAE80] =	vst v63  }
0x122: {  	_ =	swait.ge [sflag:s25], $0x560  }
0x123: {  	[sflag:s25] =	ssyncset.done $0x0  }
0x124: {  	s5 =	simm.s32 $0x52A0;
	[sflag:s25] =	ssyncadd.s32 $0xFFFFFAA0  }
0x125: {  	[tilespmem:s5], [sflag:$0x1] =	stream.linear.gather [spmem:s16], $0x560, $0x38;
	[tilespmem:$0xAE80] =	vst v63  }
0x126: {  	_ =	swait.ge [sflag:s25], $0x560  }
0x127: {  	[sflag:s25] =	ssyncset.done $0x0  }
0x128: {  	[sflag:s25] =	ssyncadd.s32 $0xFFFFFAA0  }
0x129: {  	v9 =	vld [tilespmem:s31+$0x560]  }
0x12a: {  	v10 =	vld [tilespmem:s31+$0xFFFFF540]  }
0x12b: {  	v11 =	vld [tilespmem:s31+$0xFFFFFAA0]  }
0x12c: {  	v45 =	vld [tilespmem:s0+$0xFFFFFAA0]  }
0x12d: {  	v46 =	vld [tilespmem:s31+$0x0]  }
0x12e: {  	v47 =	vld [tilespmem:s0+$0xFFFFF540]  }
0x12f: {  	v48 =	vld [tilespmem:s0+$0x0]  }
0x130: {  	v49 =	vld [tilespmem:s0+$0x560];
	vm13 =	vlt.f32 v11, v10  }
0x131: {  	v10 =	vsel vm13, v11, v10  }
0x132: {  	vm14 =	vlt.f32 v46, v10  }
0x133: {  	v11 =	vsel vm13, v45, v47;
	v10 =	vsel vm14, v46, v10  }
0x134: {  	v11 =	vsel vm14, v48, v11;
	vm15 =	vlt.f32 v9, v10  }
0x135: {  	v11 =	vsel vm15, v49, v11  }
0x136: {  	v11 =	vtrunc.f32 v11  }
0x137: {  	v11 =	vcvt.f32.s32 v11;
	_ =	sdelay $0x1  }
0x138: {  	v50 =	vadd.s32 $0xC0, v11  }
0x139: {  	v51 =	vadd.s32 $0x40, v11  }
0x13a: {  	v53 =	vld [tilespmem:s30+$0x0];
	v52 =	vadd.s32 $0x80, v11  }
0x13b: {  	v54 =	vld [tilespmem:s30+$0xFFFFFAA0]  }
0x13c: {  	v55 =	vld.idx.msk [tilespmem:v11+s24+$0x0], $0xffff  }
0x13d: {  	v12 =	vld.idx.msk [tilespmem:v50+s24+$0x0], $0xffff  }
0x13e: {  	v13 =	vld.idx.msk [tilespmem:v51+s24+$0x0], $0xffff  }
0x13f: {  	v14 =	vld.idx.msk [tilespmem:v52+s24+$0x0], $0xffff;
	_ =	sdelay $0x3  }
0x140: {  	v17 =	vsub.f32 v54, v55;
	v13 =	vsub.f32 v53, v13  }
0x141: {  	v12 =	vsub.f32 v12, v53;
	v14 =	vsub.f32 v14, v54;
	_ =	sdelay $0x1  }
0x142: {  	v15 =	vmax.f32 v13, v12;
	v16 =	vmax.f32 v17, v14  }
0x143: {  	v15 =	vmul.f32 v15, v16;
	_ =	sdelay $0x1  }
0x144: {  	v15 =	vadd.f32 $1.000000010e-10, v15;
	_ =	sdelay $0x1  }
0x145: {  	(erf) = vrcp.f32 v15;
	_ =	sdelay $0x6  }
0x146: {  	v56 =	vmin.f32 v13, v12;
	v57 =	vmin.f32 v17, v14  }
0x147: {  	v15 =	vmul.f32 v56, v57  }
0x148: {  	v58 =	vpop (erf)  }
0x149: {  	v15 =	vmul.f32 v58, v15  }
0x14a: {  	v9 =	vsel vm15, v9, v10  }
0x14b: {  	vm0 =	vlt.f32 v9, $1.000000000e+08;
	v9 =	vmax.f32 v15, $1.000000000e-30  }
0x14c: {  	v9 =	vnsel vm0, $0x3F800000, v9  }
0x14d: {  	v10 =	vshrl.u32 v9, $0x1;
	v59 =	vmul.f32 $5.000000000e-01, v9  }
0x14e: {  	v10 =	vsub.s32 $0x5F3759DF, v10  }
0x14f: {  	v60 =	vmul.f32 v10, v59;
	_ =	sdelay $0x1  }
0x150: {  	v16 =	vmul.f32 v10, v60;
	_ =	sdelay $0x1  }
0x151: {  	v16 =	vsub.f32 $1.500000000e+00, v16;
	_ =	sdelay $0x1  }
0x152: {  	v10 =	vmul.f32 v10, v16;
	_ =	sdelay $0x1  }
0x153: {  	v16 =	vmul.f32 v10, v59;
	_ =	sdelay $0x1  }
0x154: {  	v16 =	vmul.f32 v16, v10;
	_ =	sdelay $0x1  }
0x155: {  	v16 =	vsub.f32 $1.500000000e+00, v16;
	_ =	sdelay $0x1  }
0x156: {  	v10 =	vmul.f32 v16, v10;
	_ =	sdelay $0x1  }
0x157: {  	v15 =	vmul.f32 v10, v59;
	_ =	sdelay $0x1  }
0x158: {  	v15 =	vmul.f32 v15, v10;
	_ =	sdelay $0x1  }
0x159: {  	v15 =	vsub.f32 $1.500000000e+00, v15;
	_ =	sdelay $0x1  }
0x15a: {  	v10 =	vmul.f32 v15, v10;
	_ =	sdelay $0x1  }
0x15b: {  	v10 =	vmul.f32 v10, v9;
	_ =	sdelay $0x1  }
0x15c: {  	(erf) = vrcp.f32 v10;
	_ =	sdelay $0x3  }
0x15d: {  	v11 =	vadd.s32 $0x100, v11;
	_ =	sdelay $0x4  }
0x15e: {  	v11 =	vld.idx.msk [tilespmem:v11+s24+$0x0], $0xffff;
	v61 =	vpop (erf)  }
0x15f: {  	v9 =	vmul.f32 v61, v9;
	_ =	sdelay $0x1  }
0x160: {  	v9 =	vadd.f32 v9, v10  }
0x161: {  	s1 =	simm.s32 $0x7320;
	v63 =	vnsel vm0, $0xBF800000, v17  }
0x162: {  	[tilespmem:s1+$0xFFFFFAA0] =	vst v63;
	v11 =	vnsel vm0, $0x0, v11;
	v62 =	vmul.f32 $5.000000000e-01, v9  }
0x163: {  	[tilespmem:s1+$0xFFFFEFE0] =	vst v11;
	v10 =	vnsel vm0, $0xBF800000, v13  }
0x164: {  	s28 =	simm.s32 $0x10;
	s5 =	sand.u32 $0x7F0, s3;
	s3 =	simm.s32 $0x7330;
	[tilespmem:s1+$0x0] =	vst v10;
	v10 =	vnsel vm0, $0xBF800000, v12;
	v9 =	vnsel vm0, $0xBF800000, v14;
	v11 =	vnsel vm0, $0xBF800000, v62  }
.LBB2_6:
0x165: {  	[tilespmem:s1+$0xFFFFF540] =	vst v11;
	s31 =	sadd.s32 $0x10, s31;
	s0 =	sadd.s32 $0x10, s0;
	s30 =	sadd.s32 $0x10, s30  }
0x166: {  	p0 =	sne.s32 s28, $0x550;
	[tilespmem:s5+$0x7880] =	vst v9;
	s5 =	smov.u32 s28;
	s28 =	sadd.s32 $0x10, s28  }
0x167: {  	[tilespmem:s1+$0xAC0] =	vst v10;
	s1 =	smov.u32 s3  }
0x168: {  	v9 =	vld [tilespmem:s31+$0x560]  }
0x169: {  	v10 =	vld [tilespmem:s31+$0xFFFFF540]  }
0x16a: {  	v11 =	vld [tilespmem:s31+$0xFFFFFAA0]  }
0x16b: {  	v12 =	vld [tilespmem:s0+$0xFFFFFAA0]  }
0x16c: {  	v13 =	vld [tilespmem:s31+$0x0]  }
0x16d: {  	v14 =	vld [tilespmem:s0+$0xFFFFF540]  }
0x16e: {  	v15 =	vld [tilespmem:s0+$0x0]  }
0x16f: {  	vm0 =	vlt.f32 v11, v10;
	v16 =	vld [tilespmem:s0+$0x560]  }
0x170: {  	v10 =	vsel vm0, v11, v10  }
0x171: {  	vm1 =	vlt.f32 v13, v10  }
0x172: {  	v11 =	vsel vm0, v12, v14;
	v10 =	vsel vm1, v13, v10  }
0x173: {  	v11 =	vsel vm1, v15, v11;
	vm0 =	vlt.f32 v9, v10  }
0x174: {  	v9 =	vsel vm0, v9, v10;
	v10 =	vsel vm0, v16, v11  }
0x175: {  	v10 =	vtrunc.f32 v10  }
0x176: {  	v10 =	vcvt.f32.s32 v10;
	_ =	sdelay $0x1  }
0x177: {  	v11 =	vadd.s32 $0x40, v10;
	v12 =	vadd.s32 $0x80, v10;
	v13 =	vadd.s32 $0xC0, v10  }
0x178: {  	v14 =	vadd.s32 $0x100, v10  }
0x179: {  	v15 =	vld [tilespmem:s30+$0x0]  }
0x17a: {  	v16 =	vld [tilespmem:s30+$0xFFFFFAA0]  }
0x17b: {  	v10 =	vld.idx.msk [tilespmem:v10+s24+$0x0], $0xffff  }
0x17c: {  	v13 =	vld.idx.msk [tilespmem:v13+s24+$0x0], $0xffff  }
0x17d: {  	v11 =	vld.idx.msk [tilespmem:v11+s24+$0x0], $0xffff  }
0x17e: {  	v12 =	vld.idx.msk [tilespmem:v12+s24+$0x0], $0xffff;
	_ =	sdelay $0x3  }
0x17f: {  	v10 =	vsub.f32 v16, v10  }
0x180: {  	v13 =	vsub.f32 v13, v15;
	v11 =	vsub.f32 v15, v11  }
0x181: {  	v12 =	vsub.f32 v12, v16  }
0x182: {  	v15 =	vmin.f32 v11, v13;
	v16 =	vmax.f32 v11, v13  }
0x183: {  	v17 =	vmin.f32 v10, v12;
	v18 =	vmax.f32 v10, v12  }
0x184: {  	v16 =	vmul.f32 v16, v18;
	_ =	sdelay $0x1  }
0x185: {  	v16 =	vadd.f32 $1.000000010e-10, v16;
	_ =	sdelay $0x1  }
0x186: {  	(erf) = vrcp.f32 v16;
	_ =	sdelay $0x6  }
0x187: {  	v15 =	vmul.f32 v15, v17;
	v14 =	vld.idx.msk [tilespmem:v14+s24+$0x0], $0xffff;
	_ =	sdelay $0x1  }
0x188: {  	v16 =	vpop (erf)  }
0x189: {  	v15 =	vmul.f32 v16, v15  }
0x18a: {  	vm0 =	vlt.f32 v9, $1.000000000e+08  }
0x18b: {  	v11 =	vnsel vm0, $0xBF800000, v11;
	v9 =	vnsel vm0, $0xBF800000, v12;
	v15 =	vmax.f32 v15, $1.000000000e-30  }
0x18c: {  	v14 =	vnsel vm0, $0x0, v14;
	v12 =	vnsel vm0, $0x3F800000, v15;
	v15 =	vnsel vm0, $0xBF800000, v10;
	[tilespmem:s3+$0x0] =	vst v11  }
0x18d: {  	v10 =	vnsel vm0, $0xBF800000, v13;
	v11 =	vshrl.u32 v12, $0x1;
	v16 =	vmul.f32 $5.000000000e-01, v12;
	[tilespmem:s3+$0xFFFFEFE0] =	vst v14  }
0x18e: {  	v11 =	vsub.s32 $0x5F3759DF, v11;
	[tilespmem:s3+$0xFFFFFAA0] =	vst v15  }
0x18f: {  	v13 =	vmul.f32 v11, v16;
	_ =	sdelay $0x1  }
0x190: {  	v13 =	vmul.f32 v11, v13;
	_ =	sdelay $0x1  }
0x191: {  	v13 =	vsub.f32 $1.500000000e+00, v13;
	_ =	sdelay $0x1  }
0x192: {  	v11 =	vmul.f32 v11, v13;
	_ =	sdelay $0x1  }
0x193: {  	v13 =	vmul.f32 v11, v16;
	_ =	sdelay $0x1  }
0x194: {  	v13 =	vmul.f32 v13, v11;
	_ =	sdelay $0x1  }
0x195: {  	v13 =	vsub.f32 $1.500000000e+00, v13;
	_ =	sdelay $0x1  }
0x196: {  	v11 =	vmul.f32 v13, v11;
	_ =	sdelay $0x1  }
0x197: {  	v13 =	vmul.f32 v11, v16;
	_ =	sdelay $0x1  }
0x198: {  	v13 =	vmul.f32 v13, v11;
	_ =	sdelay $0x1  }
0x199: {  	v13 =	vsub.f32 $1.500000000e+00, v13;
	_ =	sdelay $0x1  }
0x19a: {  	v11 =	vmul.f32 v13, v11;
	_ =	sdelay $0x1  }
0x19b: {  	v11 =	vmul.f32 v11, v12;
	_ =	sdelay $0x1  }
0x19c: {  	(erf) = vrcp.f32 v11;
	_ =	sdelay $0x8  }
0x19d: {  	v13 =	vpop (erf)  }
0x19e: {  	v12 =	vmul.f32 v13, v12;
	_ =	sdelay $0x1  }
.Ltmp2:
0x19f: {  	v11 =	vadd.f32 v12, v11;
	(pc) =	sbr.rel @p0 .LBB2_6-.Ltmp2, $3  }
0x1a0: {  	_ = 	snop  }
0x1a1: {  	v11 =	vmul.f32 $5.000000000e-01, v11;
	_ =	sdelay $0x1  }
0x1a2: {  	s5 =	sand.u32 $0x7F0, s5;
	s3 =	sadd.s32 $0x10, s3;
	v11 =	vnsel vm0, $0xBF800000, v11  }
0x1a3: {  	[tilespmem:s1+$0xFFFFF540] =	vst v11  }
0x1a4: {  	[tilespmem:s5+$0x7880] =	vst v9  }
0x1a5: {  	s0 =	simm.s32 $0x6300;
	[tilespmem:s1+$0xAC0] =	vst v10  }
0x1a6: {  	[hbm4b:s17+s2] =	stream.linear.scatter [tilespmem:s0], [sflag:$0x1], $0x560, $0x38;
	[tilespmem:$0xAE80] =	vst v63  }
0x1a7: {  	_ =	swait.ge [sflag:s25], $0x560  }
0x1a8: {  	[sflag:s25] =	ssyncset.done $0x0  }
0x1a9: {  	s3 =	simm.s32 $0x6860;
	[sflag:s25] =	ssyncadd.s32 $0xFFFFFAA0  }
0x1aa: {  	[hbm4b:s18+s2] =	stream.linear.scatter [tilespmem:s3], [sflag:$0x1], $0x560, $0x38;
	[tilespmem:$0xAE80] =	vst v63  }
0x1ab: {  	_ =	swait.ge [sflag:s25], $0x560  }
0x1ac: {  	[sflag:s25] =	ssyncset.done $0x0  }
0x1ad: {  	s5 =	simm.s32 $0x6DC0;
	[sflag:s25] =	ssyncadd.s32 $0xFFFFFAA0  }
0x1ae: {  	[hbm4b:s19+s2] =	stream.linear.scatter [tilespmem:s5], [sflag:$0x1], $0x560, $0x38;
	[tilespmem:$0xAE80] =	vst v63  }
0x1af: {  	_ =	swait.ge [sflag:s25], $0x560  }
0x1b0: {  	[sflag:s25] =	ssyncset.done $0x0  }
0x1b1: {  	s28 =	simm.s32 $0x7320;
	[sflag:s25] =	ssyncadd.s32 $0xFFFFFAA0  }
0x1b2: {  	[hbm4b:s20+s2] =	stream.linear.scatter [tilespmem:s28], [sflag:$0x1], $0x560, $0x38;
	[tilespmem:$0xAE80] =	vst v63  }
0x1b3: {  	_ =	swait.ge [sflag:s25], $0x560  }
0x1b4: {  	[sflag:s25] =	ssyncset.done $0x0  }
0x1b5: {  	s30 =	simm.s32 $0x7880;
	[sflag:s25] =	ssyncadd.s32 $0xFFFFFAA0  }
0x1b6: {  	[hbm4b:s21+s2] =	stream.linear.scatter [tilespmem:s30], [sflag:$0x1], $0x560, $0x38;
	[tilespmem:$0xAE80] =	vst v63  }
0x1b7: {  	s29 =	sadd.s32 $0x1, s29;
	_ =	swait.ge [sflag:s25], $0x560  }
0x1b8: {  	p0 =	sne.s32 s29, s23;
	[sflag:s25] =	ssyncset.done $0x0  }
.Ltmp3:
0x1b9: {  	s31 =	simm.s32 $0x7DE0;
	[sflag:s25] =	ssyncadd.s32 $0xFFFFFAA0;
	(pc) =	sbr.rel @p0 .LBB2_1-.Ltmp3, $4  }
0x1ba: {  	[hbm4b:s22+s2] =	stream.linear.scatter [tilespmem:s31], [sflag:$0x1], $0x560, $0x38;
	[tilespmem:$0xAE80] =	vst v63  }
0x1bb: {  	_ =	swait.ge [sflag:s25], $0x560  }
0x1bc: {  	[sflag:s25] =	ssyncset.done $0x0  }
0x1bd: {  	[sflag:s25] =	ssyncadd.s32 $0xFFFFFAA0  }
0x1be: {  	_ =	sfence.sel $0x180000  }
0x1bf: {  	[bflag:$0x0] =	sbarrier.arrive $0xFFFF  }
0x1c0: {  	_ =	strace $0x90000047  }
0x1c1: {  	s0 =	stileid.u32;
	[bflag:$0x2] =	sbarrier.arrive $0xFFFF  }
0x1c2: {  	p0 =	sne.s32 s0, $0x0;
	s0 =	rddreg [dreg:$0x6]  }
0x1c3: {  	s0 =	sadd.s32 @!p0 $0x100000, s0  }
0x1c4: {  	[sflag:s0] =	ssyncadd.tile.s32 @!p0 $0x1;
	_ =	shalt  }
.Lfunc_end2:
_tile_overlayer_lowered:
.L_overlay_start_2:
0x1c5: {  	(tag) =	ssettag $0x2  }
0x1c6: {  	s0 =	rddreg [dreg:$0x0];
	s2 =	stileid.u32  }
0x1c7: {  	s1 =	rddreg [dreg:$0x1];
	p0 =	sne.s32 s2, $0x0  }
0x1c8: {  	s3 =	rddreg [dreg:$0x2];
	[bflag:$0x3] =	sbarrier.arrive $0xFFFF;
	s2 =	simm.s32 @!p0 $0x1C01  }
0x1c9: {  	[timem:s3], [sflag:s2] =	dma.local @!p0 [hbm:s0], s1  }
0x1ca: {  	s0 =	simm.s32 @!p0 $0x1  }
0x1cb: {  	_ =	swait.ge @!p0 [sflag:s0], s1  }
0x1cc: {  	s1 =	ssub.s32 @!p0 $0x0, s1;
	[sflag:s0] =	ssyncset.done @!p0 $0x0  }
0x1cd: {  	[sflag:s0] =	ssyncadd.s32 @!p0 s1  }
0x1ce: {  	[bflag:$0x3] =	sbarrier.arrive $0xFFFF  }
0x1cf: {  	_ =	shalt  }

</sc_bundles>
